<compile_context>
chip_gen: v7x
topology: tpu7x:2x2x1
jax: 0.10.2.dev20260603
libtpu: 0.0.44.dev20260713+nightly
codegen_flags: <defaults>
</compile_context>

<pallas_src>
import functools

import jax
import jax.numpy as jnp
from jax import lax
from jax.experimental import pallas as pl
from jax.experimental.pallas import tpu as pltpu
from jax.experimental.pallas import tpu_sc as plsc

_M, _J, _I, _L, _W = 16, 2, 3, 2, 9

_OFF_GAM = 0
_OFF_TMPL = _OFF_GAM + _J * _L * 16
_OFF_HEADW = _OFF_TMPL + _J * _L * 16
_OFF_TAILW = _OFF_HEADW + _J * _I * _L * 16
_OFF_TAILB = _OFF_TAILW + _L * _I * 16
_OFF_S = _OFF_TAILB + _L * 16
_BUF_LEN = _OFF_S + 2 * 16


def _shuffle(vec, idx):
    return lax.gather(
        vec, idx[:, None],
        dimension_numbers=lax.GatherDimensionNumbers(
            offset_dims=(), collapsed_slice_dims=(0,), start_index_map=(0,)),
        slice_sizes=(1,),
        mode=lax.GatherScatterMode.PROMISE_IN_BOUNDS)


def _sc_body(buf_hbm, out_hbm, buf_v, out_v):
    @pl.when((lax.axis_index("c") == 0) & (lax.axis_index("s") == 0))
    def _():
        pltpu.sync_copy(buf_hbm, buf_v)

        def ld(off):
            return buf_v[pl.ds(off, 16)]

        sc0 = ld(_OFF_S)
        sc1 = ld(_OFF_S + 16)
        s = [[_shuffle(sc0 if (w * _L + l) < 16 else sc1,
                       jnp.full((16,), (w * _L + l) % 16, jnp.int32))
              for l in range(_L)] for w in range(_W)]

        captured = [jnp.zeros((16,), jnp.float32) for _ in range(_I)]
        for j in range(_J):
            gam = [ld(_OFF_GAM + (j * _L + l) * 16) for l in range(_L)]
            templ = [ld(_OFF_TMPL + (j * _L + l) * 16) for l in range(_L)]
            sig = [1.0 / (1.0 + jnp.exp(-10.0 * (g - 0.5))) for g in gam]

            best_q = None
            best_w = jnp.zeros((16,), jnp.int32)
            for w in range(_W):
                q = jnp.zeros((16,), jnp.float32)
                for l in range(_L):
                    d = templ[l] - s[w][l]
                    q = q + sig[l] * (d * d)
                if best_q is None:
                    best_q = q
                else:
                    lt = q < best_q
                    best_q = jnp.where(lt, q, best_q)
                    best_w = jnp.where(lt, jnp.full((16,), w, jnp.int32),
                                       best_w)

            zero = jnp.zeros((16,), jnp.float32)
            s_sel = [zero, zero]
            for w in range(_W):
                hit = best_w == jnp.full((16,), w, jnp.int32)
                for l in range(_L):
                    s_sel[l] = s_sel[l] + jnp.where(hit, s[w][l], 0.0)

            for l in range(_L):
                gate = gam[l] > 0.5
                contrib = jnp.where(gate, s_sel[l], 0.0)
                for i in range(_I):
                    hw = ld(_OFF_HEADW + ((j * _I + i) * _L + l) * 16)
                    captured[i] = captured[i] + hw * contrib

        conc = []
        for l in range(_L):
            c = ld(_OFF_TAILB + l * 16)
            for i in range(_I):
                c = c + captured[i] * ld(_OFF_TAILW + (l * _I + i) * 16)
            conc.append(c)

        a = conc[0] * conc[0] + conc[1] * conc[1]
        a = jnp.maximum(a, jnp.float32(1e-20))
        seed_i = lax.shift_right_arithmetic(
            lax.bitcast_convert_type(a, jnp.int32),
            jnp.full((16,), 1, jnp.int32)) + jnp.full((16,), 0x1FBD1DF5,
                                                      jnp.int32)
        y = lax.bitcast_convert_type(seed_i, jnp.float32)
        for _ in range(3):
            y = 0.5 * (y + a / y)

        iota = lax.iota(jnp.int32, 16)
        mask15 = jnp.full((16,), 15, jnp.int32)
        mx = y
        for d in (8, 4, 2, 1):
            ridx = (iota + jnp.full((16,), d, jnp.int32)) & mask15
            mx = jnp.maximum(mx, _shuffle(mx, ridx))
        e = jnp.exp(y - mx)
        tot = e
        for d in (8, 4, 2, 1):
            ridx = (iota + jnp.full((16,), d, jnp.int32)) & mask15
            tot = tot + _shuffle(tot, ridx)
        out_v[...] = e / tot
        pltpu.sync_copy(out_v, out_hbm)


_mesh = plsc.VectorSubcoreMesh(core_axis_name="c", subcore_axis_name="s",
                               num_cores=1)

_sc_call = functools.partial(
    pl.kernel,
    mesh=_mesh,
    out_type=jax.ShapeDtypeStruct((_M,), jnp.float32),
    scratch_types=[
        pltpu.VMEM((_BUF_LEN,), jnp.float32),
        pltpu.VMEM((_M,), jnp.float32),
    ],
)(_sc_body)


@jax.jit
def kernel(state, constants, gammas, head_W, tail_W, tail_b):
    gam_t = gammas[:, 1:_J + 1, :].transpose(1, 2, 0)
    tmpl_t = constants[:, :_J, :].transpose(1, 2, 0)
    headw_t = head_W.transpose(1, 2, 3, 0)
    tailw_t = tail_W.transpose(1, 2, 0)
    tailb_t = tail_b.transpose(1, 0)
    buf = jnp.concatenate([
        gam_t.reshape(-1), tmpl_t.reshape(-1), headw_t.reshape(-1),
        tailw_t.reshape(-1), tailb_t.reshape(-1), state.reshape(-1),
        jnp.zeros((2 * 16 - _W * _L,), jnp.float32)
    ])
    return _sc_call(buf)

# --- scband reference (transcript-rebuilt; emitter-appended) ---
"""Pipeline reference for scband-algelogic-network-12455405158468 (READ-ONLY COPY).

The authoritative reference and input builder live on the scoring server;
editing this copy changes nothing except your own understanding.
"""

import jax, jax.numpy as jnp
import numpy as np

M, J, I, L, W = 16, 2, 3, 2, 9

def setup_inputs(seed: int = 0) -> dict:
    key = jax.random.key(seed)
    ks = jax.random.split(key, 6)
    state = jax.random.normal(ks[0], (1, W * L), dtype=jnp.float32)
    constants = jax.random.uniform(ks[1], (M, J + 1, L), minval=-1.0, maxval=1.0, dtype=jnp.float32)
    gammas = jax.random.uniform(ks[2], (M, J + 1, L), minval=0.0, maxval=1.0, dtype=jnp.float32)
    bh = 1.0 / np.sqrt(L)
    head_W = jax.random.uniform(ks[3], (M, J, I, L), minval=-bh, maxval=bh, dtype=jnp.float32)
    bt = 1.0 / np.sqrt(I)
    tail_W = jax.random.uniform(ks[4], (M, L, I), minval=-bt, maxval=bt, dtype=jnp.float32)
    tail_b = jax.random.uniform(ks[5], (M, L), minval=-bt, maxval=bt, dtype=jnp.float32)
    return {"state": state, "constants": constants, "gammas": gammas, "head_W": head_W, "tail_W": tail_W, "tail_b": tail_b}

def reference(state, constants, gammas, head_W, tail_W, tail_b):
    # state -> working memory props [W, L]
    s = state.reshape(-1, W, L)[0]
    # per-rule, per-premise cylindrification factors and templates
    gam = gammas[:, 1:J + 1, :]          # [M, J, L]
    templ = constants[:, :J, :]          # [M, J, L]
    # steep sigmoid (steepness=10) for crisp fuzzy matching
    sig = 1.0 / (1.0 + jnp.exp(-10.0 * (gam - 0.5)))
    # match penalty: sigmoid(gamma) * (template - wm_value)^2, summed over slots
    diff = templ[:, :, None, :] - s[None, None, :, :]   # [M, J, W, L]
    match_q = jnp.sum(sig[:, :, None, :] * diff ** 2, axis=-1)  # [M, J, W]
    # variable capture only when gamma > 0.5 (hard gate, matches torch `if`)
    gate = (gam > 0.5).astype(jnp.float32)              # [M, J, L]
    caps = jnp.einsum('mjp,mjip,wp->mjwi', gate, head_W, s)  # [M, J, W, I]
    # nearest-neighbor retrieval over working memory: argmin of match penalty
    best = jnp.argmin(match_q, axis=-1)                 # [M, J]
    sel = jnp.take_along_axis(caps, best[:, :, None, None], axis=2)[:, :, 0, :]  # [M, J, I]
    captured = jnp.sum(sel, axis=1)                     # [M, I]
    # rule tail (Linear I->L): captured @ tail_W.T + tail_b
    conclusion = jnp.einsum('mi,mli->ml', captured, tail_W) + tail_b  # [M, L]
    P = jnp.sqrt(jnp.sum(conclusion ** 2, axis=-1))     # torch.norm per rule
    action_probs = jax.nn.softmax(P, axis=0)
    return action_probs

if __name__ == "__main__":
    import jax
    _d = setup_inputs()
    print(jax.jit(kernel)(*tuple(_d.values())))

</pallas_src>

<mosaic_0001>
#map = affine_map<(d0, d1) -> (0)>
module attributes {stable_mosaic.version = 14 : i64} {
  func.func @_sc_body(%arg0: i32, %arg1: i32, %arg2: memref<480xf32, #tpu.memory_space<hbm>>, %arg3: memref<16xf32, #tpu.memory_space<hbm>>, %arg4: memref<480xf32, #tpu.memory_space<vmem>>, %arg5: memref<16xf32, #tpu.memory_space<vmem>>) attributes {dimension_semantics = [#tpu.dimension_semantics<core_parallel>, #tpu.dimension_semantics<subcore_parallel>], iteration_bounds = array<i64: 1, 16>, scalar_prefetch = 0 : i64, scratch_operands = 2 : i64, tpu.core_type = #tpu.core_type<sc_vector_subcore>, window_params = [{transform_indices = #map}, {transform_indices = #map}]} {
    %eq3A = arith.constant 0 : i32
    %eq3A_0 = arith.cmpi eq, %arg0, %eq3A : i32
    %eq3A_1 = arith.constant 0 : i32
    %eq3A_2 = arith.cmpi eq, %arg1, %eq3A_1 : i32
    %and3A = arith.andi %eq3A_0, %eq3A_2 : i1
    %convert_element_type3A = arith.extui %and3A : i1 to i32
    %cond3A = arith.constant 0 : i32
    %cond3A_3 = arith.cmpi ne, %convert_element_type3A, %cond3A : i32
    scf.if %cond3A_3 {
      "tpu.region"() ({
        %run_scoped3A = tpu.sem_alloc : memref<!tpu.dma_semaphore, #tpu.memory_space<semaphore_mem>>
        tpu.enqueue_dma source(%arg2 : memref<480xf32, #tpu.memory_space<hbm>>) target(%arg4 : memref<480xf32, #tpu.memory_space<vmem>>) target_semaphore(%run_scoped3A : memref<!tpu.dma_semaphore, #tpu.memory_space<semaphore_mem>>)
        tpu.wait_dma2 semaphore(%run_scoped3A : memref<!tpu.dma_semaphore, #tpu.memory_space<semaphore_mem>>) src(%arg2 : memref<480xf32, #tpu.memory_space<hbm>>) dst(%arg4 : memref<480xf32, #tpu.memory_space<vmem>>)
        tpu.yield
      }) : () -> ()
      %get3A = arith.constant 448 : index
      %get3A_4 = tpu.vector_load %arg4[%get3A] {strides = array<i32>} : memref<480xf32, #tpu.memory_space<vmem>>, vector<16xf32>,
      %get3A_5 = vector.shape_cast %get3A_4 : vector<16xf32> to vector<16xf32>
      %get3A_6 = arith.constant 464 : index
      %get3A_7 = tpu.vector_load %arg4[%get3A_6] {strides = array<i32>} : memref<480xf32, #tpu.memory_space<vmem>>, vector<16xf32>,
      %get3A_8 = vector.shape_cast %get3A_7 : vector<16xf32> to vector<16xf32>
      %broadcast_in_dim3A = arith.constant 0 : i32
      %broadcast_in_dim3A_9 = vector.broadcast %broadcast_in_dim3A : i32 to vector<16xi32>
      %broadcast_in_dim3A_10 = vector.shape_cast %broadcast_in_dim3A_9 : vector<16xi32> to vector<16x1xi32>
      %gather3A = vector.shape_cast %broadcast_in_dim3A_10 : vector<16x1xi32> to vector<16xi32>
      %gather3A_11 = tpu.dynamic_gather %get3A_5[%gather3A] in [0] : vector<16xf32>, vector<16xi32> -> vector<16xf32>
      %broadcast_in_dim3A_12 = arith.constant 1 : i32
      %broadcast_in_dim3A_13 = vector.broadcast %broadcast_in_dim3A_12 : i32 to vector<16xi32>
      %broadcast_in_dim3A_14 = vector.shape_cast %broadcast_in_dim3A_13 : vector<16xi32> to vector<16x1xi32>
      %gather3A_15 = vector.shape_cast %broadcast_in_dim3A_14 : vector<16x1xi32> to vector<16xi32>
      %gather3A_16 = tpu.dynamic_gather %get3A_5[%gather3A_15] in [0] : vector<16xf32>, vector<16xi32> -> vector<16xf32>
      %broadcast_in_dim3A_17 = arith.constant 2 : i32
      %broadcast_in_dim3A_18 = vector.broadcast %broadcast_in_dim3A_17 : i32 to vector<16xi32>
      %broadcast_in_dim3A_19 = vector.shape_cast %broadcast_in_dim3A_18 : vector<16xi32> to vector<16x1xi32>
      %gather3A_20 = vector.shape_cast %broadcast_in_dim3A_19 : vector<16x1xi32> to vector<16xi32>
      %gather3A_21 = tpu.dynamic_gather %get3A_5[%gather3A_20] in [0] : vector<16xf32>, vector<16xi32> -> vector<16xf32>
      %broadcast_in_dim3A_22 = arith.constant 3 : i32
      %broadcast_in_dim3A_23 = vector.broadcast %broadcast_in_dim3A_22 : i32 to vector<16xi32>
      %broadcast_in_dim3A_24 = vector.shape_cast %broadcast_in_dim3A_23 : vector<16xi32> to vector<16x1xi32>
      %gather3A_25 = vector.shape_cast %broadcast_in_dim3A_24 : vector<16x1xi32> to vector<16xi32>
      %gather3A_26 = tpu.dynamic_gather %get3A_5[%gather3A_25] in [0] : vector<16xf32>, vector<16xi32> -> vector<16xf32>
      %broadcast_in_dim3A_27 = arith.constant 4 : i32
      %broadcast_in_dim3A_28 = vector.broadcast %broadcast_in_dim3A_27 : i32 to vector<16xi32>
      %broadcast_in_dim3A_29 = vector.shape_cast %broadcast_in_dim3A_28 : vector<16xi32> to vector<16x1xi32>
      %gather3A_30 = vector.shape_cast %broadcast_in_dim3A_29 : vector<16x1xi32> to vector<16xi32>
      %gather3A_31 = tpu.dynamic_gather %get3A_5[%gather3A_30] in [0] : vector<16xf32>, vector<16xi32> -> vector<16xf32>
      %broadcast_in_dim3A_32 = arith.constant 5 : i32
      %broadcast_in_dim3A_33 = vector.broadcast %broadcast_in_dim3A_32 : i32 to vector<16xi32>
      %broadcast_in_dim3A_34 = vector.shape_cast %broadcast_in_dim3A_33 : vector<16xi32> to vector<16x1xi32>
      %gather3A_35 = vector.shape_cast %broadcast_in_dim3A_34 : vector<16x1xi32> to vector<16xi32>
      %gather3A_36 = tpu.dynamic_gather %get3A_5[%gather3A_35] in [0] : vector<16xf32>, vector<16xi32> -> vector<16xf32>
      %broadcast_in_dim3A_37 = arith.constant 6 : i32
      %broadcast_in_dim3A_38 = vector.broadcast %broadcast_in_dim3A_37 : i32 to vector<16xi32>
      %broadcast_in_dim3A_39 = vector.shape_cast %broadcast_in_dim3A_38 : vector<16xi32> to vector<16x1xi32>
      %gather3A_40 = vector.shape_cast %broadcast_in_dim3A_39 : vector<16x1xi32> to vector<16xi32>
      %gather3A_41 = tpu.dynamic_gather %get3A_5[%gather3A_40] in [0] : vector<16xf32>, vector<16xi32> -> vector<16xf32>
      %broadcast_in_dim3A_42 = arith.constant 7 : i32
      %broadcast_in_dim3A_43 = vector.broadcast %broadcast_in_dim3A_42 : i32 to vector<16xi32>
      %broadcast_in_dim3A_44 = vector.shape_cast %broadcast_in_dim3A_43 : vector<16xi32> to vector<16x1xi32>
      %gather3A_45 = vector.shape_cast %broadcast_in_dim3A_44 : vector<16x1xi32> to vector<16xi32>
      %gather3A_46 = tpu.dynamic_gather %get3A_5[%gather3A_45] in [0] : vector<16xf32>, vector<16xi32> -> vector<16xf32>
      %broadcast_in_dim3A_47 = arith.constant 8 : i32
      %broadcast_in_dim3A_48 = vector.broadcast %broadcast_in_dim3A_47 : i32 to vector<16xi32>
      %broadcast_in_dim3A_49 = vector.shape_cast %broadcast_in_dim3A_48 : vector<16xi32> to vector<16x1xi32>
      %gather3A_50 = vector.shape_cast %broadcast_in_dim3A_49 : vector<16x1xi32> to vector<16xi32>
      %gather3A_51 = tpu.dynamic_gather %get3A_5[%gather3A_50] in [0] : vector<16xf32>, vector<16xi32> -> vector<16xf32>
      %broadcast_in_dim3A_52 = arith.constant 9 : i32
      %broadcast_in_dim3A_53 = vector.broadcast %broadcast_in_dim3A_52 : i32 to vector<16xi32>
      %broadcast_in_dim3A_54 = vector.shape_cast %broadcast_in_dim3A_53 : vector<16xi32> to vector<16x1xi32>
      %gather3A_55 = vector.shape_cast %broadcast_in_dim3A_54 : vector<16x1xi32> to vector<16xi32>
      %gather3A_56 = tpu.dynamic_gather %get3A_5[%gather3A_55] in [0] : vector<16xf32>, vector<16xi32> -> vector<16xf32>
      %broadcast_in_dim3A_57 = arith.constant 10 : i32
      %broadcast_in_dim3A_58 = vector.broadcast %broadcast_in_dim3A_57 : i32 to vector<16xi32>
      %broadcast_in_dim3A_59 = vector.shape_cast %broadcast_in_dim3A_58 : vector<16xi32> to vector<16x1xi32>
      %gather3A_60 = vector.shape_cast %broadcast_in_dim3A_59 : vector<16x1xi32> to vector<16xi32>
      %gather3A_61 = tpu.dynamic_gather %get3A_5[%gather3A_60] in [0] : vector<16xf32>, vector<16xi32> -> vector<16xf32>
      %broadcast_in_dim3A_62 = arith.constant 11 : i32
      %broadcast_in_dim3A_63 = vector.broadcast %broadcast_in_dim3A_62 : i32 to vector<16xi32>
      %broadcast_in_dim3A_64 = vector.shape_cast %broadcast_in_dim3A_63 : vector<16xi32> to vector<16x1xi32>
      %gather3A_65 = vector.shape_cast %broadcast_in_dim3A_64 : vector<16x1xi32> to vector<16xi32>
      %gather3A_66 = tpu.dynamic_gather %get3A_5[%gather3A_65] in [0] : vector<16xf32>, vector<16xi32> -> vector<16xf32>
      %broadcast_in_dim3A_67 = arith.constant 12 : i32
      %broadcast_in_dim3A_68 = vector.broadcast %broadcast_in_dim3A_67 : i32 to vector<16xi32>
      %broadcast_in_dim3A_69 = vector.shape_cast %broadcast_in_dim3A_68 : vector<16xi32> to vector<16x1xi32>
      %gather3A_70 = vector.shape_cast %broadcast_in_dim3A_69 : vector<16x1xi32> to vector<16xi32>
      %gather3A_71 = tpu.dynamic_gather %get3A_5[%gather3A_70] in [0] : vector<16xf32>, vector<16xi32> -> vector<16xf32>
      %broadcast_in_dim3A_72 = arith.constant 13 : i32
      %broadcast_in_dim3A_73 = vector.broadcast %broadcast_in_dim3A_72 : i32 to vector<16xi32>
      %broadcast_in_dim3A_74 = vector.shape_cast %broadcast_in_dim3A_73 : vector<16xi32> to vector<16x1xi32>
      %gather3A_75 = vector.shape_cast %broadcast_in_dim3A_74 : vector<16x1xi32> to vector<16xi32>
      %gather3A_76 = tpu.dynamic_gather %get3A_5[%gather3A_75] in [0] : vector<16xf32>, vector<16xi32> -> vector<16xf32>
      %broadcast_in_dim3A_77 = arith.constant 14 : i32
      %broadcast_in_dim3A_78 = vector.broadcast %broadcast_in_dim3A_77 : i32 to vector<16xi32>
      %broadcast_in_dim3A_79 = vector.shape_cast %broadcast_in_dim3A_78 : vector<16xi32> to vector<16x1xi32>
      %gather3A_80 = vector.shape_cast %broadcast_in_dim3A_79 : vector<16x1xi32> to vector<16xi32>
      %gather3A_81 = tpu.dynamic_gather %get3A_5[%gather3A_80] in [0] : vector<16xf32>, vector<16xi32> -> vector<16xf32>
      %broadcast_in_dim3A_82 = arith.constant 15 : i32
      %broadcast_in_dim3A_83 = vector.broadcast %broadcast_in_dim3A_82 : i32 to vector<16xi32>
      %broadcast_in_dim3A_84 = vector.shape_cast %broadcast_in_dim3A_83 : vector<16xi32> to vector<16x1xi32>
      %gather3A_85 = vector.shape_cast %broadcast_in_dim3A_84 : vector<16x1xi32> to vector<16xi32>
      %gather3A_86 = tpu.dynamic_gather %get3A_5[%gather3A_85] in [0] : vector<16xf32>, vector<16xi32> -> vector<16xf32>
      %broadcast_in_dim3A_87 = arith.constant 0 : i32
      %broadcast_in_dim3A_88 = vector.broadcast %broadcast_in_dim3A_87 : i32 to vector<16xi32>
      %broadcast_in_dim3A_89 = vector.shape_cast %broadcast_in_dim3A_88 : vector<16xi32> to vector<16x1xi32>
      %gather3A_90 = vector.shape_cast %broadcast_in_dim3A_89 : vector<16x1xi32> to vector<16xi32>
      %gather3A_91 = tpu.dynamic_gather %get3A_8[%gather3A_90] in [0] : vector<16xf32>, vector<16xi32> -> vector<16xf32>
      %broadcast_in_dim3A_92 = arith.constant 1 : i32
      %broadcast_in_dim3A_93 = vector.broadcast %broadcast_in_dim3A_92 : i32 to vector<16xi32>
      %broadcast_in_dim3A_94 = vector.shape_cast %broadcast_in_dim3A_93 : vector<16xi32> to vector<16x1xi32>
      %gather3A_95 = vector.shape_cast %broadcast_in_dim3A_94 : vector<16x1xi32> to vector<16xi32>
      %gather3A_96 = tpu.dynamic_gather %get3A_8[%gather3A_95] in [0] : vector<16xf32>, vector<16xi32> -> vector<16xf32>
      %broadcast_in_dim3A_97 = arith.constant 0.000000e+00 : f32
      %broadcast_in_dim3A_98 = vector.broadcast %broadcast_in_dim3A_97 : f32 to vector<16xf32>
      %broadcast_in_dim3A_99 = arith.constant 0.000000e+00 : f32
      %broadcast_in_dim3A_100 = vector.broadcast %broadcast_in_dim3A_99 : f32 to vector<16xf32>
      %broadcast_in_dim3A_101 = arith.constant 0.000000e+00 : f32
      %broadcast_in_dim3A_102 = vector.broadcast %broadcast_in_dim3A_101 : f32 to vector<16xf32>
      %get3A_103 = arith.constant 0 : index
      %get3A_104 = tpu.vector_load %arg4[%get3A_103] {strides = array<i32>} : memref<480xf32, #tpu.memory_space<vmem>>, vector<16xf32>,
      %get3A_105 = vector.shape_cast %get3A_104 : vector<16xf32> to vector<16xf32>
      %get3A_106 = arith.constant 16 : index
      %get3A_107 = tpu.vector_load %arg4[%get3A_106] {strides = array<i32>} : memref<480xf32, #tpu.memory_space<vmem>>, vector<16xf32>,
      %get3A_108 = vector.shape_cast %get3A_107 : vector<16xf32> to vector<16xf32>
      %get3A_109 = arith.constant 64 : index
      %get3A_110 = tpu.vector_load %arg4[%get3A_109] {strides = array<i32>} : memref<480xf32, #tpu.memory_space<vmem>>, vector<16xf32>,
      %get3A_111 = vector.shape_cast %get3A_110 : vector<16xf32> to vector<16xf32>
      %get3A_112 = arith.constant 80 : index
      %get3A_113 = tpu.vector_load %arg4[%get3A_112] {strides = array<i32>} : memref<480xf32, #tpu.memory_space<vmem>>, vector<16xf32>,
      %get3A_114 = vector.shape_cast %get3A_113 : vector<16xf32> to vector<16xf32>
      %sub3A = arith.constant 5.000000e-01 : f32
      %sub3A_115 = vector.broadcast %sub3A : f32 to vector<16xf32>
      %sub3A_116 = arith.subf %get3A_105, %sub3A_115 : vector<16xf32>
      %mul3A = arith.constant -1.000000e+01 : f32
      %mul3A_117 = vector.broadcast %mul3A : f32 to vector<16xf32>
      %mul3A_118 = arith.mulf %mul3A_117, %sub3A_116 : vector<16xf32>
      %exp3A = math.exp %mul3A_118 : vector<16xf32>
      %add3A = arith.constant 1.000000e+00 : f32
      %add3A_119 = vector.broadcast %add3A : f32 to vector<16xf32>
      %add3A_120 = arith.addf %add3A_119, %exp3A : vector<16xf32>
      %div3A = arith.constant 1.000000e+00 : f32
      %div3A_121 = vector.broadcast %div3A : f32 to vector<16xf32>
      %div3A_122 = arith.divf %div3A_121, %add3A_120 : vector<16xf32>
      %sub3A_123 = arith.constant 5.000000e-01 : f32
      %sub3A_124 = vector.broadcast %sub3A_123 : f32 to vector<16xf32>
      %sub3A_125 = arith.subf %get3A_108, %sub3A_124 : vector<16xf32>
      %mul3A_126 = arith.constant -1.000000e+01 : f32
      %mul3A_127 = vector.broadcast %mul3A_126 : f32 to vector<16xf32>
      %mul3A_128 = arith.mulf %mul3A_127, %sub3A_125 : vector<16xf32>
      %exp3A_129 = math.exp %mul3A_128 : vector<16xf32>
      %add3A_130 = arith.constant 1.000000e+00 : f32
      %add3A_131 = vector.broadcast %add3A_130 : f32 to vector<16xf32>
      %add3A_132 = arith.addf %add3A_131, %exp3A_129 : vector<16xf32>
      %div3A_133 = arith.constant 1.000000e+00 : f32
      %div3A_134 = vector.broadcast %div3A_133 : f32 to vector<16xf32>
      %div3A_135 = arith.divf %div3A_134, %add3A_132 : vector<16xf32>
      %broadcast_in_dim3A_136 = arith.constant 0 : i32
      %broadcast_in_dim3A_137 = vector.broadcast %broadcast_in_dim3A_136 : i32 to vector<16xi32>
      %broadcast_in_dim3A_138 = arith.constant 0.000000e+00 : f32
      %broadcast_in_dim3A_139 = vector.broadcast %broadcast_in_dim3A_138 : f32 to vector<16xf32>
      %sub3A_140 = arith.subf %get3A_111, %gather3A_11 : vector<16xf32>
      %mul3A_141 = arith.mulf %sub3A_140, %sub3A_140 : vector<16xf32>
      %mul3A_142 = arith.mulf %div3A_122, %mul3A_141 : vector<16xf32>
      %add3A_143 = arith.addf %broadcast_in_dim3A_139, %mul3A_142 : vector<16xf32>
      %sub3A_144 = arith.subf %get3A_114, %gather3A_16 : vector<16xf32>
      %mul3A_145 = arith.mulf %sub3A_144, %sub3A_144 : vector<16xf32>
      %mul3A_146 = arith.mulf %div3A_135, %mul3A_145 : vector<16xf32>
      %add3A_147 = arith.addf %add3A_143, %mul3A_146 : vector<16xf32>
      %broadcast_in_dim3A_148 = arith.constant 0.000000e+00 : f32
      %broadcast_in_dim3A_149 = vector.broadcast %broadcast_in_dim3A_148 : f32 to vector<16xf32>
      %sub3A_150 = arith.subf %get3A_111, %gather3A_21 : vector<16xf32>
      %mul3A_151 = arith.mulf %sub3A_150, %sub3A_150 : vector<16xf32>
      %mul3A_152 = arith.mulf %div3A_122, %mul3A_151 : vector<16xf32>
      %add3A_153 = arith.addf %broadcast_in_dim3A_149, %mul3A_152 : vector<16xf32>
      %sub3A_154 = arith.subf %get3A_114, %gather3A_26 : vector<16xf32>
      %mul3A_155 = arith.mulf %sub3A_154, %sub3A_154 : vector<16xf32>
      %mul3A_156 = arith.mulf %div3A_135, %mul3A_155 : vector<16xf32>
      %add3A_157 = arith.addf %add3A_153, %mul3A_156 : vector<16xf32>
      %lt3A = arith.cmpf olt, %add3A_157, %add3A_147 : vector<16xf32>
      %select_n3A = arith.select %lt3A, %add3A_157, %add3A_147 : vector<16xi1>, vector<16xf32>
      %broadcast_in_dim3A_158 = arith.constant 1 : i32
      %broadcast_in_dim3A_159 = vector.broadcast %broadcast_in_dim3A_158 : i32 to vector<16xi32>
      %select_n3A_160 = arith.select %lt3A, %broadcast_in_dim3A_159, %broadcast_in_dim3A_137 : vector<16xi1>, vector<16xi32>
      %broadcast_in_dim3A_161 = arith.constant 0.000000e+00 : f32
      %broadcast_in_dim3A_162 = vector.broadcast %broadcast_in_dim3A_161 : f32 to vector<16xf32>
      %sub3A_163 = arith.subf %get3A_111, %gather3A_31 : vector<16xf32>
      %mul3A_164 = arith.mulf %sub3A_163, %sub3A_163 : vector<16xf32>
      %mul3A_165 = arith.mulf %div3A_122, %mul3A_164 : vector<16xf32>
      %add3A_166 = arith.addf %broadcast_in_dim3A_162, %mul3A_165 : vector<16xf32>
      %sub3A_167 = arith.subf %get3A_114, %gather3A_36 : vector<16xf32>
      %mul3A_168 = arith.mulf %sub3A_167, %sub3A_167 : vector<16xf32>
      %mul3A_169 = arith.mulf %div3A_135, %mul3A_168 : vector<16xf32>
      %add3A_170 = arith.addf %add3A_166, %mul3A_169 : vector<16xf32>
      %lt3A_171 = arith.cmpf olt, %add3A_170, %select_n3A : vector<16xf32>
      %select_n3A_172 = arith.select %lt3A_171, %add3A_170, %select_n3A : vector<16xi1>, vector<16xf32>
      %broadcast_in_dim3A_173 = arith.constant 2 : i32
      %broadcast_in_dim3A_174 = vector.broadcast %broadcast_in_dim3A_173 : i32 to vector<16xi32>
      %select_n3A_175 = arith.select %lt3A_171, %broadcast_in_dim3A_174, %select_n3A_160 : vector<16xi1>, vector<16xi32>
      %broadcast_in_dim3A_176 = arith.constant 0.000000e+00 : f32
      %broadcast_in_dim3A_177 = vector.broadcast %broadcast_in_dim3A_176 : f32 to vector<16xf32>
      %sub3A_178 = arith.subf %get3A_111, %gather3A_41 : vector<16xf32>
      %mul3A_179 = arith.mulf %sub3A_178, %sub3A_178 : vector<16xf32>
      %mul3A_180 = arith.mulf %div3A_122, %mul3A_179 : vector<16xf32>
      %add3A_181 = arith.addf %broadcast_in_dim3A_177, %mul3A_180 : vector<16xf32>
      %sub3A_182 = arith.subf %get3A_114, %gather3A_46 : vector<16xf32>
      %mul3A_183 = arith.mulf %sub3A_182, %sub3A_182 : vector<16xf32>
      %mul3A_184 = arith.mulf %div3A_135, %mul3A_183 : vector<16xf32>
      %add3A_185 = arith.addf %add3A_181, %mul3A_184 : vector<16xf32>
      %lt3A_186 = arith.cmpf olt, %add3A_185, %select_n3A_172 : vector<16xf32>
      %select_n3A_187 = arith.select %lt3A_186, %add3A_185, %select_n3A_172 : vector<16xi1>, vector<16xf32>
      %broadcast_in_dim3A_188 = arith.constant 3 : i32
      %broadcast_in_dim3A_189 = vector.broadcast %broadcast_in_dim3A_188 : i32 to vector<16xi32>
      %select_n3A_190 = arith.select %lt3A_186, %broadcast_in_dim3A_189, %select_n3A_175 : vector<16xi1>, vector<16xi32>
      %broadcast_in_dim3A_191 = arith.constant 0.000000e+00 : f32
      %broadcast_in_dim3A_192 = vector.broadcast %broadcast_in_dim3A_191 : f32 to vector<16xf32>
      %sub3A_193 = arith.subf %get3A_111, %gather3A_51 : vector<16xf32>
      %mul3A_194 = arith.mulf %sub3A_193, %sub3A_193 : vector<16xf32>
      %mul3A_195 = arith.mulf %div3A_122, %mul3A_194 : vector<16xf32>
      %add3A_196 = arith.addf %broadcast_in_dim3A_192, %mul3A_195 : vector<16xf32>
      %sub3A_197 = arith.subf %get3A_114, %gather3A_56 : vector<16xf32>
      %mul3A_198 = arith.mulf %sub3A_197, %sub3A_197 : vector<16xf32>
      %mul3A_199 = arith.mulf %div3A_135, %mul3A_198 : vector<16xf32>
      %add3A_200 = arith.addf %add3A_196, %mul3A_199 : vector<16xf32>
      %lt3A_201 = arith.cmpf olt, %add3A_200, %select_n3A_187 : vector<16xf32>
      %select_n3A_202 = arith.select %lt3A_201, %add3A_200, %select_n3A_187 : vector<16xi1>, vector<16xf32>
      %broadcast_in_dim3A_203 = arith.constant 4 : i32
      %broadcast_in_dim3A_204 = vector.broadcast %broadcast_in_dim3A_203 : i32 to vector<16xi32>
      %select_n3A_205 = arith.select %lt3A_201, %broadcast_in_dim3A_204, %select_n3A_190 : vector<16xi1>, vector<16xi32>
      %broadcast_in_dim3A_206 = arith.constant 0.000000e+00 : f32
      %broadcast_in_dim3A_207 = vector.broadcast %broadcast_in_dim3A_206 : f32 to vector<16xf32>
      %sub3A_208 = arith.subf %get3A_111, %gather3A_61 : vector<16xf32>
      %mul3A_209 = arith.mulf %sub3A_208, %sub3A_208 : vector<16xf32>
      %mul3A_210 = arith.mulf %div3A_122, %mul3A_209 : vector<16xf32>
      %add3A_211 = arith.addf %broadcast_in_dim3A_207, %mul3A_210 : vector<16xf32>
      %sub3A_212 = arith.subf %get3A_114, %gather3A_66 : vector<16xf32>
      %mul3A_213 = arith.mulf %sub3A_212, %sub3A_212 : vector<16xf32>
      %mul3A_214 = arith.mulf %div3A_135, %mul3A_213 : vector<16xf32>
      %add3A_215 = arith.addf %add3A_211, %mul3A_214 : vector<16xf32>
      %lt3A_216 = arith.cmpf olt, %add3A_215, %select_n3A_202 : vector<16xf32>
      %select_n3A_217 = arith.select %lt3A_216, %add3A_215, %select_n3A_202 : vector<16xi1>, vector<16xf32>
      %broadcast_in_dim3A_218 = arith.constant 5 : i32
      %broadcast_in_dim3A_219 = vector.broadcast %broadcast_in_dim3A_218 : i32 to vector<16xi32>
      %select_n3A_220 = arith.select %lt3A_216, %broadcast_in_dim3A_219, %select_n3A_205 : vector<16xi1>, vector<16xi32>
      %broadcast_in_dim3A_221 = arith.constant 0.000000e+00 : f32
      %broadcast_in_dim3A_222 = vector.broadcast %broadcast_in_dim3A_221 : f32 to vector<16xf32>
      %sub3A_223 = arith.subf %get3A_111, %gather3A_71 : vector<16xf32>
      %mul3A_224 = arith.mulf %sub3A_223, %sub3A_223 : vector<16xf32>
      %mul3A_225 = arith.mulf %div3A_122, %mul3A_224 : vector<16xf32>
      %add3A_226 = arith.addf %broadcast_in_dim3A_222, %mul3A_225 : vector<16xf32>
      %sub3A_227 = arith.subf %get3A_114, %gather3A_76 : vector<16xf32>
      %mul3A_228 = arith.mulf %sub3A_227, %sub3A_227 : vector<16xf32>
      %mul3A_229 = arith.mulf %div3A_135, %mul3A_228 : vector<16xf32>
      %add3A_230 = arith.addf %add3A_226, %mul3A_229 : vector<16xf32>
      %lt3A_231 = arith.cmpf olt, %add3A_230, %select_n3A_217 : vector<16xf32>
      %select_n3A_232 = arith.select %lt3A_231, %add3A_230, %select_n3A_217 : vector<16xi1>, vector<16xf32>
      %broadcast_in_dim3A_233 = arith.constant 6 : i32
      %broadcast_in_dim3A_234 = vector.broadcast %broadcast_in_dim3A_233 : i32 to vector<16xi32>
      %select_n3A_235 = arith.select %lt3A_231, %broadcast_in_dim3A_234, %select_n3A_220 : vector<16xi1>, vector<16xi32>
      %broadcast_in_dim3A_236 = arith.constant 0.000000e+00 : f32
      %broadcast_in_dim3A_237 = vector.broadcast %broadcast_in_dim3A_236 : f32 to vector<16xf32>
      %sub3A_238 = arith.subf %get3A_111, %gather3A_81 : vector<16xf32>
      %mul3A_239 = arith.mulf %sub3A_238, %sub3A_238 : vector<16xf32>
      %mul3A_240 = arith.mulf %div3A_122, %mul3A_239 : vector<16xf32>
      %add3A_241 = arith.addf %broadcast_in_dim3A_237, %mul3A_240 : vector<16xf32>
      %sub3A_242 = arith.subf %get3A_114, %gather3A_86 : vector<16xf32>
      %mul3A_243 = arith.mulf %sub3A_242, %sub3A_242 : vector<16xf32>
      %mul3A_244 = arith.mulf %div3A_135, %mul3A_243 : vector<16xf32>
      %add3A_245 = arith.addf %add3A_241, %mul3A_244 : vector<16xf32>
      %lt3A_246 = arith.cmpf olt, %add3A_245, %select_n3A_232 : vector<16xf32>
      %select_n3A_247 = arith.select %lt3A_246, %add3A_245, %select_n3A_232 : vector<16xi1>, vector<16xf32>
      %broadcast_in_dim3A_248 = arith.constant 7 : i32
      %broadcast_in_dim3A_249 = vector.broadcast %broadcast_in_dim3A_248 : i32 to vector<16xi32>
      %select_n3A_250 = arith.select %lt3A_246, %broadcast_in_dim3A_249, %select_n3A_235 : vector<16xi1>, vector<16xi32>
      %broadcast_in_dim3A_251 = arith.constant 0.000000e+00 : f32
      %broadcast_in_dim3A_252 = vector.broadcast %broadcast_in_dim3A_251 : f32 to vector<16xf32>
      %sub3A_253 = arith.subf %get3A_111, %gather3A_91 : vector<16xf32>
      %mul3A_254 = arith.mulf %sub3A_253, %sub3A_253 : vector<16xf32>
      %mul3A_255 = arith.mulf %div3A_122, %mul3A_254 : vector<16xf32>
      %add3A_256 = arith.addf %broadcast_in_dim3A_252, %mul3A_255 : vector<16xf32>
      %sub3A_257 = arith.subf %get3A_114, %gather3A_96 : vector<16xf32>
      %mul3A_258 = arith.mulf %sub3A_257, %sub3A_257 : vector<16xf32>
      %mul3A_259 = arith.mulf %div3A_135, %mul3A_258 : vector<16xf32>
      %add3A_260 = arith.addf %add3A_256, %mul3A_259 : vector<16xf32>
      %lt3A_261 = arith.cmpf olt, %add3A_260, %select_n3A_247 : vector<16xf32>
      %select_n3A_262 = arith.select %lt3A_261, %add3A_260, %select_n3A_247 : vector<16xi1>, vector<16xf32>
      %broadcast_in_dim3A_263 = arith.constant 8 : i32
      %broadcast_in_dim3A_264 = vector.broadcast %broadcast_in_dim3A_263 : i32 to vector<16xi32>
      %select_n3A_265 = arith.select %lt3A_261, %broadcast_in_dim3A_264, %select_n3A_250 : vector<16xi1>, vector<16xi32>
      %broadcast_in_dim3A_266 = arith.constant 0.000000e+00 : f32
      %broadcast_in_dim3A_267 = vector.broadcast %broadcast_in_dim3A_266 : f32 to vector<16xf32>
      %broadcast_in_dim3A_268 = arith.constant 0 : i32
      %broadcast_in_dim3A_269 = vector.broadcast %broadcast_in_dim3A_268 : i32 to vector<16xi32>
      %eq3A_270 = arith.cmpi eq, %select_n3A_265, %broadcast_in_dim3A_269 : vector<16xi32>
      %jit3A = arith.constant 0.000000e+00 : f32
      %broadcast_in_dim3A_271 = vector.broadcast %jit3A : f32 to vector<16xf32>
      %select_n3A_272 = arith.select %eq3A_270, %gather3A_11, %broadcast_in_dim3A_271 : vector<16xi1>, vector<16xf32>
      %add3A_273 = arith.addf %broadcast_in_dim3A_267, %select_n3A_272 : vector<16xf32>
      %jit3A_274 = arith.constant 0.000000e+00 : f32
      %broadcast_in_dim3A_275 = vector.broadcast %jit3A_274 : f32 to vector<16xf32>
      %select_n3A_276 = arith.select %eq3A_270, %gather3A_16, %broadcast_in_dim3A_275 : vector<16xi1>, vector<16xf32>
      %add3A_277 = arith.addf %broadcast_in_dim3A_267, %select_n3A_276 : vector<16xf32>
      %broadcast_in_dim3A_278 = arith.constant 1 : i32
      %broadcast_in_dim3A_279 = vector.broadcast %broadcast_in_dim3A_278 : i32 to vector<16xi32>
      %eq3A_280 = arith.cmpi eq, %select_n3A_265, %broadcast_in_dim3A_279 : vector<16xi32>
      %jit3A_281 = arith.constant 0.000000e+00 : f32
      %broadcast_in_dim3A_282 = vector.broadcast %jit3A_281 : f32 to vector<16xf32>
      %select_n3A_283 = arith.select %eq3A_280, %gather3A_21, %broadcast_in_dim3A_282 : vector<16xi1>, vector<16xf32>
      %add3A_284 = arith.addf %add3A_273, %select_n3A_283 : vector<16xf32>
      %jit3A_285 = arith.constant 0.000000e+00 : f32
      %broadcast_in_dim3A_286 = vector.broadcast %jit3A_285 : f32 to vector<16xf32>
      %select_n3A_287 = arith.select %eq3A_280, %gather3A_26, %broadcast_in_dim3A_286 : vector<16xi1>, vector<16xf32>
      %add3A_288 = arith.addf %add3A_277, %select_n3A_287 : vector<16xf32>
      %broadcast_in_dim3A_289 = arith.constant 2 : i32
      %broadcast_in_dim3A_290 = vector.broadcast %broadcast_in_dim3A_289 : i32 to vector<16xi32>
      %eq3A_291 = arith.cmpi eq, %select_n3A_265, %broadcast_in_dim3A_290 : vector<16xi32>
      %jit3A_292 = arith.constant 0.000000e+00 : f32
      %broadcast_in_dim3A_293 = vector.broadcast %jit3A_292 : f32 to vector<16xf32>
      %select_n3A_294 = arith.select %eq3A_291, %gather3A_31, %broadcast_in_dim3A_293 : vector<16xi1>, vector<16xf32>
      %add3A_295 = arith.addf %add3A_284, %select_n3A_294 : vector<16xf32>
      %jit3A_296 = arith.constant 0.000000e+00 : f32
      %broadcast_in_dim3A_297 = vector.broadcast %jit3A_296 : f32 to vector<16xf32>
      %select_n3A_298 = arith.select %eq3A_291, %gather3A_36, %broadcast_in_dim3A_297 : vector<16xi1>, vector<16xf32>
      %add3A_299 = arith.addf %add3A_288, %select_n3A_298 : vector<16xf32>
      %broadcast_in_dim3A_300 = arith.constant 3 : i32
      %broadcast_in_dim3A_301 = vector.broadcast %broadcast_in_dim3A_300 : i32 to vector<16xi32>
      %eq3A_302 = arith.cmpi eq, %select_n3A_265, %broadcast_in_dim3A_301 : vector<16xi32>
      %jit3A_303 = arith.constant 0.000000e+00 : f32
      %broadcast_in_dim3A_304 = vector.broadcast %jit3A_303 : f32 to vector<16xf32>
      %select_n3A_305 = arith.select %eq3A_302, %gather3A_41, %broadcast_in_dim3A_304 : vector<16xi1>, vector<16xf32>
      %add3A_306 = arith.addf %add3A_295, %select_n3A_305 : vector<16xf32>
      %jit3A_307 = arith.constant 0.000000e+00 : f32
      %broadcast_in_dim3A_308 = vector.broadcast %jit3A_307 : f32 to vector<16xf32>
      %select_n3A_309 = arith.select %eq3A_302, %gather3A_46, %broadcast_in_dim3A_308 : vector<16xi1>, vector<16xf32>
      %add3A_310 = arith.addf %add3A_299, %select_n3A_309 : vector<16xf32>
      %broadcast_in_dim3A_311 = arith.constant 4 : i32
      %broadcast_in_dim3A_312 = vector.broadcast %broadcast_in_dim3A_311 : i32 to vector<16xi32>
      %eq3A_313 = arith.cmpi eq, %select_n3A_265, %broadcast_in_dim3A_312 : vector<16xi32>
      %jit3A_314 = arith.constant 0.000000e+00 : f32
      %broadcast_in_dim3A_315 = vector.broadcast %jit3A_314 : f32 to vector<16xf32>
      %select_n3A_316 = arith.select %eq3A_313, %gather3A_51, %broadcast_in_dim3A_315 : vector<16xi1>, vector<16xf32>
      %add3A_317 = arith.addf %add3A_306, %select_n3A_316 : vector<16xf32>
      %jit3A_318 = arith.constant 0.000000e+00 : f32
      %broadcast_in_dim3A_319 = vector.broadcast %jit3A_318 : f32 to vector<16xf32>
      %select_n3A_320 = arith.select %eq3A_313, %gather3A_56, %broadcast_in_dim3A_319 : vector<16xi1>, vector<16xf32>
      %add3A_321 = arith.addf %add3A_310, %select_n3A_320 : vector<16xf32>
      %broadcast_in_dim3A_322 = arith.constant 5 : i32
      %broadcast_in_dim3A_323 = vector.broadcast %broadcast_in_dim3A_322 : i32 to vector<16xi32>
      %eq3A_324 = arith.cmpi eq, %select_n3A_265, %broadcast_in_dim3A_323 : vector<16xi32>
      %jit3A_325 = arith.constant 0.000000e+00 : f32
      %broadcast_in_dim3A_326 = vector.broadcast %jit3A_325 : f32 to vector<16xf32>
      %select_n3A_327 = arith.select %eq3A_324, %gather3A_61, %broadcast_in_dim3A_326 : vector<16xi1>, vector<16xf32>
      %add3A_328 = arith.addf %add3A_317, %select_n3A_327 : vector<16xf32>
      %jit3A_329 = arith.constant 0.000000e+00 : f32
      %broadcast_in_dim3A_330 = vector.broadcast %jit3A_329 : f32 to vector<16xf32>
      %select_n3A_331 = arith.select %eq3A_324, %gather3A_66, %broadcast_in_dim3A_330 : vector<16xi1>, vector<16xf32>
      %add3A_332 = arith.addf %add3A_321, %select_n3A_331 : vector<16xf32>
      %broadcast_in_dim3A_333 = arith.constant 6 : i32
      %broadcast_in_dim3A_334 = vector.broadcast %broadcast_in_dim3A_333 : i32 to vector<16xi32>
      %eq3A_335 = arith.cmpi eq, %select_n3A_265, %broadcast_in_dim3A_334 : vector<16xi32>
      %jit3A_336 = arith.constant 0.000000e+00 : f32
      %broadcast_in_dim3A_337 = vector.broadcast %jit3A_336 : f32 to vector<16xf32>
      %select_n3A_338 = arith.select %eq3A_335, %gather3A_71, %broadcast_in_dim3A_337 : vector<16xi1>, vector<16xf32>
      %add3A_339 = arith.addf %add3A_328, %select_n3A_338 : vector<16xf32>
      %jit3A_340 = arith.constant 0.000000e+00 : f32
      %broadcast_in_dim3A_341 = vector.broadcast %jit3A_340 : f32 to vector<16xf32>
      %select_n3A_342 = arith.select %eq3A_335, %gather3A_76, %broadcast_in_dim3A_341 : vector<16xi1>, vector<16xf32>
      %add3A_343 = arith.addf %add3A_332, %select_n3A_342 : vector<16xf32>
      %broadcast_in_dim3A_344 = arith.constant 7 : i32
      %broadcast_in_dim3A_345 = vector.broadcast %broadcast_in_dim3A_344 : i32 to vector<16xi32>
      %eq3A_346 = arith.cmpi eq, %select_n3A_265, %broadcast_in_dim3A_345 : vector<16xi32>
      %jit3A_347 = arith.constant 0.000000e+00 : f32
      %broadcast_in_dim3A_348 = vector.broadcast %jit3A_347 : f32 to vector<16xf32>
      %select_n3A_349 = arith.select %eq3A_346, %gather3A_81, %broadcast_in_dim3A_348 : vector<16xi1>, vector<16xf32>
      %add3A_350 = arith.addf %add3A_339, %select_n3A_349 : vector<16xf32>
      %jit3A_351 = arith.constant 0.000000e+00 : f32
      %broadcast_in_dim3A_352 = vector.broadcast %jit3A_351 : f32 to vector<16xf32>
      %select_n3A_353 = arith.select %eq3A_346, %gather3A_86, %broadcast_in_dim3A_352 : vector<16xi1>, vector<16xf32>
      %add3A_354 = arith.addf %add3A_343, %select_n3A_353 : vector<16xf32>
      %broadcast_in_dim3A_355 = arith.constant 8 : i32
      %broadcast_in_dim3A_356 = vector.broadcast %broadcast_in_dim3A_355 : i32 to vector<16xi32>
      %eq3A_357 = arith.cmpi eq, %select_n3A_265, %broadcast_in_dim3A_356 : vector<16xi32>
      %jit3A_358 = arith.constant 0.000000e+00 : f32
      %broadcast_in_dim3A_359 = vector.broadcast %jit3A_358 : f32 to vector<16xf32>
      %select_n3A_360 = arith.select %eq3A_357, %gather3A_91, %broadcast_in_dim3A_359 : vector<16xi1>, vector<16xf32>
      %add3A_361 = arith.addf %add3A_350, %select_n3A_360 : vector<16xf32>
      %jit3A_362 = arith.constant 0.000000e+00 : f32
      %broadcast_in_dim3A_363 = vector.broadcast %jit3A_362 : f32 to vector<16xf32>
      %select_n3A_364 = arith.select %eq3A_357, %gather3A_96, %broadcast_in_dim3A_363 : vector<16xi1>, vector<16xf32>
      %add3A_365 = arith.addf %add3A_354, %select_n3A_364 : vector<16xf32>
      %gt3A = arith.constant 5.000000e-01 : f32
      %gt3A_366 = vector.broadcast %gt3A : f32 to vector<16xf32>
      %gt3A_367 = arith.cmpf ogt, %get3A_105, %gt3A_366 : vector<16xf32>
      %jit3A_368 = arith.constant 0.000000e+00 : f32
      %broadcast_in_dim3A_369 = vector.broadcast %jit3A_368 : f32 to vector<16xf32>
      %select_n3A_370 = arith.select %gt3A_367, %add3A_361, %broadcast_in_dim3A_369 : vector<16xi1>, vector<16xf32>
      %get3A_371 = arith.constant 128 : index
      %get3A_372 = tpu.vector_load %arg4[%get3A_371] {strides = array<i32>} : memref<480xf32, #tpu.memory_space<vmem>>, vector<16xf32>,
      %get3A_373 = vector.shape_cast %get3A_372 : vector<16xf32> to vector<16xf32>
      %mul3A_374 = arith.mulf %get3A_373, %select_n3A_370 : vector<16xf32>
      %add3A_375 = arith.addf %broadcast_in_dim3A_98, %mul3A_374 : vector<16xf32>
      %get3A_376 = arith.constant 160 : index
      %get3A_377 = tpu.vector_load %arg4[%get3A_376] {strides = array<i32>} : memref<480xf32, #tpu.memory_space<vmem>>, vector<16xf32>,
      %get3A_378 = vector.shape_cast %get3A_377 : vector<16xf32> to vector<16xf32>
      %mul3A_379 = arith.mulf %get3A_378, %select_n3A_370 : vector<16xf32>
      %add3A_380 = arith.addf %broadcast_in_dim3A_100, %mul3A_379 : vector<16xf32>
      %get3A_381 = arith.constant 192 : index
      %get3A_382 = tpu.vector_load %arg4[%get3A_381] {strides = array<i32>} : memref<480xf32, #tpu.memory_space<vmem>>, vector<16xf32>,
      %get3A_383 = vector.shape_cast %get3A_382 : vector<16xf32> to vector<16xf32>
      %mul3A_384 = arith.mulf %get3A_383, %select_n3A_370 : vector<16xf32>
      %add3A_385 = arith.addf %broadcast_in_dim3A_102, %mul3A_384 : vector<16xf32>
      %gt3A_386 = arith.constant 5.000000e-01 : f32
      %gt3A_387 = vector.broadcast %gt3A_386 : f32 to vector<16xf32>
      %gt3A_388 = arith.cmpf ogt, %get3A_108, %gt3A_387 : vector<16xf32>
      %jit3A_389 = arith.constant 0.000000e+00 : f32
      %broadcast_in_dim3A_390 = vector.broadcast %jit3A_389 : f32 to vector<16xf32>
      %select_n3A_391 = arith.select %gt3A_388, %add3A_365, %broadcast_in_dim3A_390 : vector<16xi1>, vector<16xf32>
      %get3A_392 = arith.constant 144 : index
      %get3A_393 = tpu.vector_load %arg4[%get3A_392] {strides = array<i32>} : memref<480xf32, #tpu.memory_space<vmem>>, vector<16xf32>,
      %get3A_394 = vector.shape_cast %get3A_393 : vector<16xf32> to vector<16xf32>
      %mul3A_395 = arith.mulf %get3A_394, %select_n3A_391 : vector<16xf32>
      %add3A_396 = arith.addf %add3A_375, %mul3A_395 : vector<16xf32>
      %get3A_397 = arith.constant 176 : index
      %get3A_398 = tpu.vector_load %arg4[%get3A_397] {strides = array<i32>} : memref<480xf32, #tpu.memory_space<vmem>>, vector<16xf32>,
      %get3A_399 = vector.shape_cast %get3A_398 : vector<16xf32> to vector<16xf32>
      %mul3A_400 = arith.mulf %get3A_399, %select_n3A_391 : vector<16xf32>
      %add3A_401 = arith.addf %add3A_380, %mul3A_400 : vector<16xf32>
      %get3A_402 = arith.constant 208 : index
      %get3A_403 = tpu.vector_load %arg4[%get3A_402] {strides = array<i32>} : memref<480xf32, #tpu.memory_space<vmem>>, vector<16xf32>,
      %get3A_404 = vector.shape_cast %get3A_403 : vector<16xf32> to vector<16xf32>
      %mul3A_405 = arith.mulf %get3A_404, %select_n3A_391 : vector<16xf32>
      %add3A_406 = arith.addf %add3A_385, %mul3A_405 : vector<16xf32>
      %get3A_407 = arith.constant 32 : index
      %get3A_408 = tpu.vector_load %arg4[%get3A_407] {strides = array<i32>} : memref<480xf32, #tpu.memory_space<vmem>>, vector<16xf32>,
      %get3A_409 = vector.shape_cast %get3A_408 : vector<16xf32> to vector<16xf32>
      %get3A_410 = arith.constant 48 : index
      %get3A_411 = tpu.vector_load %arg4[%get3A_410] {strides = array<i32>} : memref<480xf32, #tpu.memory_space<vmem>>, vector<16xf32>,
      %get3A_412 = vector.shape_cast %get3A_411 : vector<16xf32> to vector<16xf32>
      %get3A_413 = arith.constant 96 : index
      %get3A_414 = tpu.vector_load %arg4[%get3A_413] {strides = array<i32>} : memref<480xf32, #tpu.memory_space<vmem>>, vector<16xf32>,
      %get3A_415 = vector.shape_cast %get3A_414 : vector<16xf32> to vector<16xf32>
      %get3A_416 = arith.constant 112 : index
      %get3A_417 = tpu.vector_load %arg4[%get3A_416] {strides = array<i32>} : memref<480xf32, #tpu.memory_space<vmem>>, vector<16xf32>,
      %get3A_418 = vector.shape_cast %get3A_417 : vector<16xf32> to vector<16xf32>
      %sub3A_419 = arith.constant 5.000000e-01 : f32
      %sub3A_420 = vector.broadcast %sub3A_419 : f32 to vector<16xf32>
      %sub3A_421 = arith.subf %get3A_409, %sub3A_420 : vector<16xf32>
      %mul3A_422 = arith.constant -1.000000e+01 : f32
      %mul3A_423 = vector.broadcast %mul3A_422 : f32 to vector<16xf32>
      %mul3A_424 = arith.mulf %mul3A_423, %sub3A_421 : vector<16xf32>
      %exp3A_425 = math.exp %mul3A_424 : vector<16xf32>
      %add3A_426 = arith.constant 1.000000e+00 : f32
      %add3A_427 = vector.broadcast %add3A_426 : f32 to vector<16xf32>
      %add3A_428 = arith.addf %add3A_427, %exp3A_425 : vector<16xf32>
      %div3A_429 = arith.constant 1.000000e+00 : f32
      %div3A_430 = vector.broadcast %div3A_429 : f32 to vector<16xf32>
      %div3A_431 = arith.divf %div3A_430, %add3A_428 : vector<16xf32>
      %sub3A_432 = arith.constant 5.000000e-01 : f32
      %sub3A_433 = vector.broadcast %sub3A_432 : f32 to vector<16xf32>
      %sub3A_434 = arith.subf %get3A_412, %sub3A_433 : vector<16xf32>
      %mul3A_435 = arith.constant -1.000000e+01 : f32
      %mul3A_436 = vector.broadcast %mul3A_435 : f32 to vector<16xf32>
      %mul3A_437 = arith.mulf %mul3A_436, %sub3A_434 : vector<16xf32>
      %exp3A_438 = math.exp %mul3A_437 : vector<16xf32>
      %add3A_439 = arith.constant 1.000000e+00 : f32
      %add3A_440 = vector.broadcast %add3A_439 : f32 to vector<16xf32>
      %add3A_441 = arith.addf %add3A_440, %exp3A_438 : vector<16xf32>
      %div3A_442 = arith.constant 1.000000e+00 : f32
      %div3A_443 = vector.broadcast %div3A_442 : f32 to vector<16xf32>
      %div3A_444 = arith.divf %div3A_443, %add3A_441 : vector<16xf32>
      %broadcast_in_dim3A_445 = arith.constant 0 : i32
      %broadcast_in_dim3A_446 = vector.broadcast %broadcast_in_dim3A_445 : i32 to vector<16xi32>
      %broadcast_in_dim3A_447 = arith.constant 0.000000e+00 : f32
      %broadcast_in_dim3A_448 = vector.broadcast %broadcast_in_dim3A_447 : f32 to vector<16xf32>
      %sub3A_449 = arith.subf %get3A_415, %gather3A_11 : vector<16xf32>
      %mul3A_450 = arith.mulf %sub3A_449, %sub3A_449 : vector<16xf32>
      %mul3A_451 = arith.mulf %div3A_431, %mul3A_450 : vector<16xf32>
      %add3A_452 = arith.addf %broadcast_in_dim3A_448, %mul3A_451 : vector<16xf32>
      %sub3A_453 = arith.subf %get3A_418, %gather3A_16 : vector<16xf32>
      %mul3A_454 = arith.mulf %sub3A_453, %sub3A_453 : vector<16xf32>
      %mul3A_455 = arith.mulf %div3A_444, %mul3A_454 : vector<16xf32>
      %add3A_456 = arith.addf %add3A_452, %mul3A_455 : vector<16xf32>
      %broadcast_in_dim3A_457 = arith.constant 0.000000e+00 : f32
      %broadcast_in_dim3A_458 = vector.broadcast %broadcast_in_dim3A_457 : f32 to vector<16xf32>
      %sub3A_459 = arith.subf %get3A_415, %gather3A_21 : vector<16xf32>
      %mul3A_460 = arith.mulf %sub3A_459, %sub3A_459 : vector<16xf32>
      %mul3A_461 = arith.mulf %div3A_431, %mul3A_460 : vector<16xf32>
      %add3A_462 = arith.addf %broadcast_in_dim3A_458, %mul3A_461 : vector<16xf32>
      %sub3A_463 = arith.subf %get3A_418, %gather3A_26 : vector<16xf32>
      %mul3A_464 = arith.mulf %sub3A_463, %sub3A_463 : vector<16xf32>
      %mul3A_465 = arith.mulf %div3A_444, %mul3A_464 : vector<16xf32>
      %add3A_466 = arith.addf %add3A_462, %mul3A_465 : vector<16xf32>
      %lt3A_467 = arith.cmpf olt, %add3A_466, %add3A_456 : vector<16xf32>
      %select_n3A_468 = arith.select %lt3A_467, %add3A_466, %add3A_456 : vector<16xi1>, vector<16xf32>
      %broadcast_in_dim3A_469 = arith.constant 1 : i32
      %broadcast_in_dim3A_470 = vector.broadcast %broadcast_in_dim3A_469 : i32 to vector<16xi32>
      %select_n3A_471 = arith.select %lt3A_467, %broadcast_in_dim3A_470, %broadcast_in_dim3A_446 : vector<16xi1>, vector<16xi32>
      %broadcast_in_dim3A_472 = arith.constant 0.000000e+00 : f32
      %broadcast_in_dim3A_473 = vector.broadcast %broadcast_in_dim3A_472 : f32 to vector<16xf32>
      %sub3A_474 = arith.subf %get3A_415, %gather3A_31 : vector<16xf32>
      %mul3A_475 = arith.mulf %sub3A_474, %sub3A_474 : vector<16xf32>
      %mul3A_476 = arith.mulf %div3A_431, %mul3A_475 : vector<16xf32>
      %add3A_477 = arith.addf %broadcast_in_dim3A_473, %mul3A_476 : vector<16xf32>
      %sub3A_478 = arith.subf %get3A_418, %gather3A_36 : vector<16xf32>
      %mul3A_479 = arith.mulf %sub3A_478, %sub3A_478 : vector<16xf32>
      %mul3A_480 = arith.mulf %div3A_444, %mul3A_479 : vector<16xf32>
      %add3A_481 = arith.addf %add3A_477, %mul3A_480 : vector<16xf32>
      %lt3A_482 = arith.cmpf olt, %add3A_481, %select_n3A_468 : vector<16xf32>
      %select_n3A_483 = arith.select %lt3A_482, %add3A_481, %select_n3A_468 : vector<16xi1>, vector<16xf32>
      %broadcast_in_dim3A_484 = arith.constant 2 : i32
      %broadcast_in_dim3A_485 = vector.broadcast %broadcast_in_dim3A_484 : i32 to vector<16xi32>
      %select_n3A_486 = arith.select %lt3A_482, %broadcast_in_dim3A_485, %select_n3A_471 : vector<16xi1>, vector<16xi32>
      %broadcast_in_dim3A_487 = arith.constant 0.000000e+00 : f32
      %broadcast_in_dim3A_488 = vector.broadcast %broadcast_in_dim3A_487 : f32 to vector<16xf32>
      %sub3A_489 = arith.subf %get3A_415, %gather3A_41 : vector<16xf32>
      %mul3A_490 = arith.mulf %sub3A_489, %sub3A_489 : vector<16xf32>
      %mul3A_491 = arith.mulf %div3A_431, %mul3A_490 : vector<16xf32>
      %add3A_492 = arith.addf %broadcast_in_dim3A_488, %mul3A_491 : vector<16xf32>
      %sub3A_493 = arith.subf %get3A_418, %gather3A_46 : vector<16xf32>
      %mul3A_494 = arith.mulf %sub3A_493, %sub3A_493 : vector<16xf32>
      %mul3A_495 = arith.mulf %div3A_444, %mul3A_494 : vector<16xf32>
      %add3A_496 = arith.addf %add3A_492, %mul3A_495 : vector<16xf32>
      %lt3A_497 = arith.cmpf olt, %add3A_496, %select_n3A_483 : vector<16xf32>
      %select_n3A_498 = arith.select %lt3A_497, %add3A_496, %select_n3A_483 : vector<16xi1>, vector<16xf32>
      %broadcast_in_dim3A_499 = arith.constant 3 : i32
      %broadcast_in_dim3A_500 = vector.broadcast %broadcast_in_dim3A_499 : i32 to vector<16xi32>
      %select_n3A_501 = arith.select %lt3A_497, %broadcast_in_dim3A_500, %select_n3A_486 : vector<16xi1>, vector<16xi32>
      %broadcast_in_dim3A_502 = arith.constant 0.000000e+00 : f32
      %broadcast_in_dim3A_503 = vector.broadcast %broadcast_in_dim3A_502 : f32 to vector<16xf32>
      %sub3A_504 = arith.subf %get3A_415, %gather3A_51 : vector<16xf32>
      %mul3A_505 = arith.mulf %sub3A_504, %sub3A_504 : vector<16xf32>
      %mul3A_506 = arith.mulf %div3A_431, %mul3A_505 : vector<16xf32>
      %add3A_507 = arith.addf %broadcast_in_dim3A_503, %mul3A_506 : vector<16xf32>
      %sub3A_508 = arith.subf %get3A_418, %gather3A_56 : vector<16xf32>
      %mul3A_509 = arith.mulf %sub3A_508, %sub3A_508 : vector<16xf32>
      %mul3A_510 = arith.mulf %div3A_444, %mul3A_509 : vector<16xf32>
      %add3A_511 = arith.addf %add3A_507, %mul3A_510 : vector<16xf32>
      %lt3A_512 = arith.cmpf olt, %add3A_511, %select_n3A_498 : vector<16xf32>
      %select_n3A_513 = arith.select %lt3A_512, %add3A_511, %select_n3A_498 : vector<16xi1>, vector<16xf32>
      %broadcast_in_dim3A_514 = arith.constant 4 : i32
      %broadcast_in_dim3A_515 = vector.broadcast %broadcast_in_dim3A_514 : i32 to vector<16xi32>
      %select_n3A_516 = arith.select %lt3A_512, %broadcast_in_dim3A_515, %select_n3A_501 : vector<16xi1>, vector<16xi32>
      %broadcast_in_dim3A_517 = arith.constant 0.000000e+00 : f32
      %broadcast_in_dim3A_518 = vector.broadcast %broadcast_in_dim3A_517 : f32 to vector<16xf32>
      %sub3A_519 = arith.subf %get3A_415, %gather3A_61 : vector<16xf32>
      %mul3A_520 = arith.mulf %sub3A_519, %sub3A_519 : vector<16xf32>
      %mul3A_521 = arith.mulf %div3A_431, %mul3A_520 : vector<16xf32>
      %add3A_522 = arith.addf %broadcast_in_dim3A_518, %mul3A_521 : vector<16xf32>
      %sub3A_523 = arith.subf %get3A_418, %gather3A_66 : vector<16xf32>
      %mul3A_524 = arith.mulf %sub3A_523, %sub3A_523 : vector<16xf32>
      %mul3A_525 = arith.mulf %div3A_444, %mul3A_524 : vector<16xf32>
      %add3A_526 = arith.addf %add3A_522, %mul3A_525 : vector<16xf32>
      %lt3A_527 = arith.cmpf olt, %add3A_526, %select_n3A_513 : vector<16xf32>
      %select_n3A_528 = arith.select %lt3A_527, %add3A_526, %select_n3A_513 : vector<16xi1>, vector<16xf32>
      %broadcast_in_dim3A_529 = arith.constant 5 : i32
      %broadcast_in_dim3A_530 = vector.broadcast %broadcast_in_dim3A_529 : i32 to vector<16xi32>
      %select_n3A_531 = arith.select %lt3A_527, %broadcast_in_dim3A_530, %select_n3A_516 : vector<16xi1>, vector<16xi32>
      %broadcast_in_dim3A_532 = arith.constant 0.000000e+00 : f32
      %broadcast_in_dim3A_533 = vector.broadcast %broadcast_in_dim3A_532 : f32 to vector<16xf32>
      %sub3A_534 = arith.subf %get3A_415, %gather3A_71 : vector<16xf32>
      %mul3A_535 = arith.mulf %sub3A_534, %sub3A_534 : vector<16xf32>
      %mul3A_536 = arith.mulf %div3A_431, %mul3A_535 : vector<16xf32>
      %add3A_537 = arith.addf %broadcast_in_dim3A_533, %mul3A_536 : vector<16xf32>
      %sub3A_538 = arith.subf %get3A_418, %gather3A_76 : vector<16xf32>
      %mul3A_539 = arith.mulf %sub3A_538, %sub3A_538 : vector<16xf32>
      %mul3A_540 = arith.mulf %div3A_444, %mul3A_539 : vector<16xf32>
      %add3A_541 = arith.addf %add3A_537, %mul3A_540 : vector<16xf32>
      %lt3A_542 = arith.cmpf olt, %add3A_541, %select_n3A_528 : vector<16xf32>
      %select_n3A_543 = arith.select %lt3A_542, %add3A_541, %select_n3A_528 : vector<16xi1>, vector<16xf32>
      %broadcast_in_dim3A_544 = arith.constant 6 : i32
      %broadcast_in_dim3A_545 = vector.broadcast %broadcast_in_dim3A_544 : i32 to vector<16xi32>
      %select_n3A_546 = arith.select %lt3A_542, %broadcast_in_dim3A_545, %select_n3A_531 : vector<16xi1>, vector<16xi32>
      %broadcast_in_dim3A_547 = arith.constant 0.000000e+00 : f32
      %broadcast_in_dim3A_548 = vector.broadcast %broadcast_in_dim3A_547 : f32 to vector<16xf32>
      %sub3A_549 = arith.subf %get3A_415, %gather3A_81 : vector<16xf32>
      %mul3A_550 = arith.mulf %sub3A_549, %sub3A_549 : vector<16xf32>
      %mul3A_551 = arith.mulf %div3A_431, %mul3A_550 : vector<16xf32>
      %add3A_552 = arith.addf %broadcast_in_dim3A_548, %mul3A_551 : vector<16xf32>
      %sub3A_553 = arith.subf %get3A_418, %gather3A_86 : vector<16xf32>
      %mul3A_554 = arith.mulf %sub3A_553, %sub3A_553 : vector<16xf32>
      %mul3A_555 = arith.mulf %div3A_444, %mul3A_554 : vector<16xf32>
      %add3A_556 = arith.addf %add3A_552, %mul3A_555 : vector<16xf32>
      %lt3A_557 = arith.cmpf olt, %add3A_556, %select_n3A_543 : vector<16xf32>
      %select_n3A_558 = arith.select %lt3A_557, %add3A_556, %select_n3A_543 : vector<16xi1>, vector<16xf32>
      %broadcast_in_dim3A_559 = arith.constant 7 : i32
      %broadcast_in_dim3A_560 = vector.broadcast %broadcast_in_dim3A_559 : i32 to vector<16xi32>
      %select_n3A_561 = arith.select %lt3A_557, %broadcast_in_dim3A_560, %select_n3A_546 : vector<16xi1>, vector<16xi32>
      %broadcast_in_dim3A_562 = arith.constant 0.000000e+00 : f32
      %broadcast_in_dim3A_563 = vector.broadcast %broadcast_in_dim3A_562 : f32 to vector<16xf32>
      %sub3A_564 = arith.subf %get3A_415, %gather3A_91 : vector<16xf32>
      %mul3A_565 = arith.mulf %sub3A_564, %sub3A_564 : vector<16xf32>
      %mul3A_566 = arith.mulf %div3A_431, %mul3A_565 : vector<16xf32>
      %add3A_567 = arith.addf %broadcast_in_dim3A_563, %mul3A_566 : vector<16xf32>
      %sub3A_568 = arith.subf %get3A_418, %gather3A_96 : vector<16xf32>
      %mul3A_569 = arith.mulf %sub3A_568, %sub3A_568 : vector<16xf32>
      %mul3A_570 = arith.mulf %div3A_444, %mul3A_569 : vector<16xf32>
      %add3A_571 = arith.addf %add3A_567, %mul3A_570 : vector<16xf32>
      %lt3A_572 = arith.cmpf olt, %add3A_571, %select_n3A_558 : vector<16xf32>
      %select_n3A_573 = arith.select %lt3A_572, %add3A_571, %select_n3A_558 : vector<16xi1>, vector<16xf32>
      %broadcast_in_dim3A_574 = arith.constant 8 : i32
      %broadcast_in_dim3A_575 = vector.broadcast %broadcast_in_dim3A_574 : i32 to vector<16xi32>
      %select_n3A_576 = arith.select %lt3A_572, %broadcast_in_dim3A_575, %select_n3A_561 : vector<16xi1>, vector<16xi32>
      %broadcast_in_dim3A_577 = arith.constant 0.000000e+00 : f32
      %broadcast_in_dim3A_578 = vector.broadcast %broadcast_in_dim3A_577 : f32 to vector<16xf32>
      %broadcast_in_dim3A_579 = arith.constant 0 : i32
      %broadcast_in_dim3A_580 = vector.broadcast %broadcast_in_dim3A_579 : i32 to vector<16xi32>
      %eq3A_581 = arith.cmpi eq, %select_n3A_576, %broadcast_in_dim3A_580 : vector<16xi32>
      %jit3A_582 = arith.constant 0.000000e+00 : f32
      %broadcast_in_dim3A_583 = vector.broadcast %jit3A_582 : f32 to vector<16xf32>
      %select_n3A_584 = arith.select %eq3A_581, %gather3A_11, %broadcast_in_dim3A_583 : vector<16xi1>, vector<16xf32>
      %add3A_585 = arith.addf %broadcast_in_dim3A_578, %select_n3A_584 : vector<16xf32>
      %jit3A_586 = arith.constant 0.000000e+00 : f32
      %broadcast_in_dim3A_587 = vector.broadcast %jit3A_586 : f32 to vector<16xf32>
      %select_n3A_588 = arith.select %eq3A_581, %gather3A_16, %broadcast_in_dim3A_587 : vector<16xi1>, vector<16xf32>
      %add3A_589 = arith.addf %broadcast_in_dim3A_578, %select_n3A_588 : vector<16xf32>
      %broadcast_in_dim3A_590 = arith.constant 1 : i32
      %broadcast_in_dim3A_591 = vector.broadcast %broadcast_in_dim3A_590 : i32 to vector<16xi32>
      %eq3A_592 = arith.cmpi eq, %select_n3A_576, %broadcast_in_dim3A_591 : vector<16xi32>
      %jit3A_593 = arith.constant 0.000000e+00 : f32
      %broadcast_in_dim3A_594 = vector.broadcast %jit3A_593 : f32 to vector<16xf32>
      %select_n3A_595 = arith.select %eq3A_592, %gather3A_21, %broadcast_in_dim3A_594 : vector<16xi1>, vector<16xf32>
      %add3A_596 = arith.addf %add3A_585, %select_n3A_595 : vector<16xf32>
      %jit3A_597 = arith.constant 0.000000e+00 : f32
      %broadcast_in_dim3A_598 = vector.broadcast %jit3A_597 : f32 to vector<16xf32>
      %select_n3A_599 = arith.select %eq3A_592, %gather3A_26, %broadcast_in_dim3A_598 : vector<16xi1>, vector<16xf32>
      %add3A_600 = arith.addf %add3A_589, %select_n3A_599 : vector<16xf32>
      %broadcast_in_dim3A_601 = arith.constant 2 : i32
      %broadcast_in_dim3A_602 = vector.broadcast %broadcast_in_dim3A_601 : i32 to vector<16xi32>
      %eq3A_603 = arith.cmpi eq, %select_n3A_576, %broadcast_in_dim3A_602 : vector<16xi32>
      %jit3A_604 = arith.constant 0.000000e+00 : f32
      %broadcast_in_dim3A_605 = vector.broadcast %jit3A_604 : f32 to vector<16xf32>
      %select_n3A_606 = arith.select %eq3A_603, %gather3A_31, %broadcast_in_dim3A_605 : vector<16xi1>, vector<16xf32>
      %add3A_607 = arith.addf %add3A_596, %select_n3A_606 : vector<16xf32>
      %jit3A_608 = arith.constant 0.000000e+00 : f32
      %broadcast_in_dim3A_609 = vector.broadcast %jit3A_608 : f32 to vector<16xf32>
      %select_n3A_610 = arith.select %eq3A_603, %gather3A_36, %broadcast_in_dim3A_609 : vector<16xi1>, vector<16xf32>
      %add3A_611 = arith.addf %add3A_600, %select_n3A_610 : vector<16xf32>
      %broadcast_in_dim3A_612 = arith.constant 3 : i32
      %broadcast_in_dim3A_613 = vector.broadcast %broadcast_in_dim3A_612 : i32 to vector<16xi32>
      %eq3A_614 = arith.cmpi eq, %select_n3A_576, %broadcast_in_dim3A_613 : vector<16xi32>
      %jit3A_615 = arith.constant 0.000000e+00 : f32
      %broadcast_in_dim3A_616 = vector.broadcast %jit3A_615 : f32 to vector<16xf32>
      %select_n3A_617 = arith.select %eq3A_614, %gather3A_41, %broadcast_in_dim3A_616 : vector<16xi1>, vector<16xf32>
      %add3A_618 = arith.addf %add3A_607, %select_n3A_617 : vector<16xf32>
      %jit3A_619 = arith.constant 0.000000e+00 : f32
      %broadcast_in_dim3A_620 = vector.broadcast %jit3A_619 : f32 to vector<16xf32>
      %select_n3A_621 = arith.select %eq3A_614, %gather3A_46, %broadcast_in_dim3A_620 : vector<16xi1>, vector<16xf32>
      %add3A_622 = arith.addf %add3A_611, %select_n3A_621 : vector<16xf32>
      %broadcast_in_dim3A_623 = arith.constant 4 : i32
      %broadcast_in_dim3A_624 = vector.broadcast %broadcast_in_dim3A_623 : i32 to vector<16xi32>
      %eq3A_625 = arith.cmpi eq, %select_n3A_576, %broadcast_in_dim3A_624 : vector<16xi32>
      %jit3A_626 = arith.constant 0.000000e+00 : f32
      %broadcast_in_dim3A_627 = vector.broadcast %jit3A_626 : f32 to vector<16xf32>
      %select_n3A_628 = arith.select %eq3A_625, %gather3A_51, %broadcast_in_dim3A_627 : vector<16xi1>, vector<16xf32>
      %add3A_629 = arith.addf %add3A_618, %select_n3A_628 : vector<16xf32>
      %jit3A_630 = arith.constant 0.000000e+00 : f32
      %broadcast_in_dim3A_631 = vector.broadcast %jit3A_630 : f32 to vector<16xf32>
      %select_n3A_632 = arith.select %eq3A_625, %gather3A_56, %broadcast_in_dim3A_631 : vector<16xi1>, vector<16xf32>
      %add3A_633 = arith.addf %add3A_622, %select_n3A_632 : vector<16xf32>
      %broadcast_in_dim3A_634 = arith.constant 5 : i32
      %broadcast_in_dim3A_635 = vector.broadcast %broadcast_in_dim3A_634 : i32 to vector<16xi32>
      %eq3A_636 = arith.cmpi eq, %select_n3A_576, %broadcast_in_dim3A_635 : vector<16xi32>
      %jit3A_637 = arith.constant 0.000000e+00 : f32
      %broadcast_in_dim3A_638 = vector.broadcast %jit3A_637 : f32 to vector<16xf32>
      %select_n3A_639 = arith.select %eq3A_636, %gather3A_61, %broadcast_in_dim3A_638 : vector<16xi1>, vector<16xf32>
      %add3A_640 = arith.addf %add3A_629, %select_n3A_639 : vector<16xf32>
      %jit3A_641 = arith.constant 0.000000e+00 : f32
      %broadcast_in_dim3A_642 = vector.broadcast %jit3A_641 : f32 to vector<16xf32>
      %select_n3A_643 = arith.select %eq3A_636, %gather3A_66, %broadcast_in_dim3A_642 : vector<16xi1>, vector<16xf32>
      %add3A_644 = arith.addf %add3A_633, %select_n3A_643 : vector<16xf32>
      %broadcast_in_dim3A_645 = arith.constant 6 : i32
      %broadcast_in_dim3A_646 = vector.broadcast %broadcast_in_dim3A_645 : i32 to vector<16xi32>
      %eq3A_647 = arith.cmpi eq, %select_n3A_576, %broadcast_in_dim3A_646 : vector<16xi32>
      %jit3A_648 = arith.constant 0.000000e+00 : f32
      %broadcast_in_dim3A_649 = vector.broadcast %jit3A_648 : f32 to vector<16xf32>
      %select_n3A_650 = arith.select %eq3A_647, %gather3A_71, %broadcast_in_dim3A_649 : vector<16xi1>, vector<16xf32>
      %add3A_651 = arith.addf %add3A_640, %select_n3A_650 : vector<16xf32>
      %jit3A_652 = arith.constant 0.000000e+00 : f32
      %broadcast_in_dim3A_653 = vector.broadcast %jit3A_652 : f32 to vector<16xf32>
      %select_n3A_654 = arith.select %eq3A_647, %gather3A_76, %broadcast_in_dim3A_653 : vector<16xi1>, vector<16xf32>
      %add3A_655 = arith.addf %add3A_644, %select_n3A_654 : vector<16xf32>
      %broadcast_in_dim3A_656 = arith.constant 7 : i32
      %broadcast_in_dim3A_657 = vector.broadcast %broadcast_in_dim3A_656 : i32 to vector<16xi32>
      %eq3A_658 = arith.cmpi eq, %select_n3A_576, %broadcast_in_dim3A_657 : vector<16xi32>
      %jit3A_659 = arith.constant 0.000000e+00 : f32
      %broadcast_in_dim3A_660 = vector.broadcast %jit3A_659 : f32 to vector<16xf32>
      %select_n3A_661 = arith.select %eq3A_658, %gather3A_81, %broadcast_in_dim3A_660 : vector<16xi1>, vector<16xf32>
      %add3A_662 = arith.addf %add3A_651, %select_n3A_661 : vector<16xf32>
      %jit3A_663 = arith.constant 0.000000e+00 : f32
      %broadcast_in_dim3A_664 = vector.broadcast %jit3A_663 : f32 to vector<16xf32>
      %select_n3A_665 = arith.select %eq3A_658, %gather3A_86, %broadcast_in_dim3A_664 : vector<16xi1>, vector<16xf32>
      %add3A_666 = arith.addf %add3A_655, %select_n3A_665 : vector<16xf32>
      %broadcast_in_dim3A_667 = arith.constant 8 : i32
      %broadcast_in_dim3A_668 = vector.broadcast %broadcast_in_dim3A_667 : i32 to vector<16xi32>
      %eq3A_669 = arith.cmpi eq, %select_n3A_576, %broadcast_in_dim3A_668 : vector<16xi32>
      %jit3A_670 = arith.constant 0.000000e+00 : f32
      %broadcast_in_dim3A_671 = vector.broadcast %jit3A_670 : f32 to vector<16xf32>
      %select_n3A_672 = arith.select %eq3A_669, %gather3A_91, %broadcast_in_dim3A_671 : vector<16xi1>, vector<16xf32>
      %add3A_673 = arith.addf %add3A_662, %select_n3A_672 : vector<16xf32>
      %jit3A_674 = arith.constant 0.000000e+00 : f32
      %broadcast_in_dim3A_675 = vector.broadcast %jit3A_674 : f32 to vector<16xf32>
      %select_n3A_676 = arith.select %eq3A_669, %gather3A_96, %broadcast_in_dim3A_675 : vector<16xi1>, vector<16xf32>
      %add3A_677 = arith.addf %add3A_666, %select_n3A_676 : vector<16xf32>
      %gt3A_678 = arith.constant 5.000000e-01 : f32
      %gt3A_679 = vector.broadcast %gt3A_678 : f32 to vector<16xf32>
      %gt3A_680 = arith.cmpf ogt, %get3A_409, %gt3A_679 : vector<16xf32>
      %jit3A_681 = arith.constant 0.000000e+00 : f32
      %broadcast_in_dim3A_682 = vector.broadcast %jit3A_681 : f32 to vector<16xf32>
      %select_n3A_683 = arith.select %gt3A_680, %add3A_673, %broadcast_in_dim3A_682 : vector<16xi1>, vector<16xf32>
      %get3A_684 = arith.constant 224 : index
      %get3A_685 = tpu.vector_load %arg4[%get3A_684] {strides = array<i32>} : memref<480xf32, #tpu.memory_space<vmem>>, vector<16xf32>,
      %get3A_686 = vector.shape_cast %get3A_685 : vector<16xf32> to vector<16xf32>
      %mul3A_687 = arith.mulf %get3A_686, %select_n3A_683 : vector<16xf32>
      %add3A_688 = arith.addf %add3A_396, %mul3A_687 : vector<16xf32>
      %get3A_689 = arith.constant 256 : index
      %get3A_690 = tpu.vector_load %arg4[%get3A_689] {strides = array<i32>} : memref<480xf32, #tpu.memory_space<vmem>>, vector<16xf32>,
      %get3A_691 = vector.shape_cast %get3A_690 : vector<16xf32> to vector<16xf32>
      %mul3A_692 = arith.mulf %get3A_691, %select_n3A_683 : vector<16xf32>
      %add3A_693 = arith.addf %add3A_401, %mul3A_692 : vector<16xf32>
      %get3A_694 = arith.constant 288 : index
      %get3A_695 = tpu.vector_load %arg4[%get3A_694] {strides = array<i32>} : memref<480xf32, #tpu.memory_space<vmem>>, vector<16xf32>,
      %get3A_696 = vector.shape_cast %get3A_695 : vector<16xf32> to vector<16xf32>
      %mul3A_697 = arith.mulf %get3A_696, %select_n3A_683 : vector<16xf32>
      %add3A_698 = arith.addf %add3A_406, %mul3A_697 : vector<16xf32>
      %gt3A_699 = arith.constant 5.000000e-01 : f32
      %gt3A_700 = vector.broadcast %gt3A_699 : f32 to vector<16xf32>
      %gt3A_701 = arith.cmpf ogt, %get3A_412, %gt3A_700 : vector<16xf32>
      %jit3A_702 = arith.constant 0.000000e+00 : f32
      %broadcast_in_dim3A_703 = vector.broadcast %jit3A_702 : f32 to vector<16xf32>
      %select_n3A_704 = arith.select %gt3A_701, %add3A_677, %broadcast_in_dim3A_703 : vector<16xi1>, vector<16xf32>
      %get3A_705 = arith.constant 240 : index
      %get3A_706 = tpu.vector_load %arg4[%get3A_705] {strides = array<i32>} : memref<480xf32, #tpu.memory_space<vmem>>, vector<16xf32>,
      %get3A_707 = vector.shape_cast %get3A_706 : vector<16xf32> to vector<16xf32>
      %mul3A_708 = arith.mulf %get3A_707, %select_n3A_704 : vector<16xf32>
      %add3A_709 = arith.addf %add3A_688, %mul3A_708 : vector<16xf32>
      %get3A_710 = arith.constant 272 : index
      %get3A_711 = tpu.vector_load %arg4[%get3A_710] {strides = array<i32>} : memref<480xf32, #tpu.memory_space<vmem>>, vector<16xf32>,
      %get3A_712 = vector.shape_cast %get3A_711 : vector<16xf32> to vector<16xf32>
      %mul3A_713 = arith.mulf %get3A_712, %select_n3A_704 : vector<16xf32>
      %add3A_714 = arith.addf %add3A_693, %mul3A_713 : vector<16xf32>
      %get3A_715 = arith.constant 304 : index
      %get3A_716 = tpu.vector_load %arg4[%get3A_715] {strides = array<i32>} : memref<480xf32, #tpu.memory_space<vmem>>, vector<16xf32>,
      %get3A_717 = vector.shape_cast %get3A_716 : vector<16xf32> to vector<16xf32>
      %mul3A_718 = arith.mulf %get3A_717, %select_n3A_704 : vector<16xf32>
      %add3A_719 = arith.addf %add3A_698, %mul3A_718 : vector<16xf32>
      %get3A_720 = arith.constant 416 : index
      %get3A_721 = tpu.vector_load %arg4[%get3A_720] {strides = array<i32>} : memref<480xf32, #tpu.memory_space<vmem>>, vector<16xf32>,
      %get3A_722 = vector.shape_cast %get3A_721 : vector<16xf32> to vector<16xf32>
      %get3A_723 = arith.constant 320 : index
      %get3A_724 = tpu.vector_load %arg4[%get3A_723] {strides = array<i32>} : memref<480xf32, #tpu.memory_space<vmem>>, vector<16xf32>,
      %get3A_725 = vector.shape_cast %get3A_724 : vector<16xf32> to vector<16xf32>
      %mul3A_726 = arith.mulf %add3A_709, %get3A_725 : vector<16xf32>
      %add3A_727 = arith.addf %get3A_722, %mul3A_726 : vector<16xf32>
      %get3A_728 = arith.constant 336 : index
      %get3A_729 = tpu.vector_load %arg4[%get3A_728] {strides = array<i32>} : memref<480xf32, #tpu.memory_space<vmem>>, vector<16xf32>,
      %get3A_730 = vector.shape_cast %get3A_729 : vector<16xf32> to vector<16xf32>
      %mul3A_731 = arith.mulf %add3A_714, %get3A_730 : vector<16xf32>
      %add3A_732 = arith.addf %add3A_727, %mul3A_731 : vector<16xf32>
      %get3A_733 = arith.constant 352 : index
      %get3A_734 = tpu.vector_load %arg4[%get3A_733] {strides = array<i32>} : memref<480xf32, #tpu.memory_space<vmem>>, vector<16xf32>,
      %get3A_735 = vector.shape_cast %get3A_734 : vector<16xf32> to vector<16xf32>
      %mul3A_736 = arith.mulf %add3A_719, %get3A_735 : vector<16xf32>
      %add3A_737 = arith.addf %add3A_732, %mul3A_736 : vector<16xf32>
      %get3A_738 = arith.constant 432 : index
      %get3A_739 = tpu.vector_load %arg4[%get3A_738] {strides = array<i32>} : memref<480xf32, #tpu.memory_space<vmem>>, vector<16xf32>,
      %get3A_740 = vector.shape_cast %get3A_739 : vector<16xf32> to vector<16xf32>
      %get3A_741 = arith.constant 368 : index
      %get3A_742 = tpu.vector_load %arg4[%get3A_741] {strides = array<i32>} : memref<480xf32, #tpu.memory_space<vmem>>, vector<16xf32>,
      %get3A_743 = vector.shape_cast %get3A_742 : vector<16xf32> to vector<16xf32>
      %mul3A_744 = arith.mulf %add3A_709, %get3A_743 : vector<16xf32>
      %add3A_745 = arith.addf %get3A_740, %mul3A_744 : vector<16xf32>
      %get3A_746 = arith.constant 384 : index
      %get3A_747 = tpu.vector_load %arg4[%get3A_746] {strides = array<i32>} : memref<480xf32, #tpu.memory_space<vmem>>, vector<16xf32>,
      %get3A_748 = vector.shape_cast %get3A_747 : vector<16xf32> to vector<16xf32>
      %mul3A_749 = arith.mulf %add3A_714, %get3A_748 : vector<16xf32>
      %add3A_750 = arith.addf %add3A_745, %mul3A_749 : vector<16xf32>
      %get3A_751 = arith.constant 400 : index
      %get3A_752 = tpu.vector_load %arg4[%get3A_751] {strides = array<i32>} : memref<480xf32, #tpu.memory_space<vmem>>, vector<16xf32>,
      %get3A_753 = vector.shape_cast %get3A_752 : vector<16xf32> to vector<16xf32>
      %mul3A_754 = arith.mulf %add3A_719, %get3A_753 : vector<16xf32>
      %add3A_755 = arith.addf %add3A_750, %mul3A_754 : vector<16xf32>
      %mul3A_756 = arith.mulf %add3A_737, %add3A_737 : vector<16xf32>
      %mul3A_757 = arith.mulf %add3A_755, %add3A_755 : vector<16xf32>
      %add3A_758 = arith.addf %mul3A_756, %mul3A_757 : vector<16xf32>
      %max3A = arith.constant 9.99999968E-21 : f32
      %max3A_759 = vector.broadcast %max3A : f32 to vector<16xf32>
      %max3A_760 = arith.maximumf %add3A_758, %max3A_759 : vector<16xf32>
      %bitcast_convert_type3A = tpu.bitcast %max3A_760 : vector<16xf32> -> vector<16xi32>
      %broadcast_in_dim3A_761 = arith.constant 1 : i32
      %broadcast_in_dim3A_762 = vector.broadcast %broadcast_in_dim3A_761 : i32 to vector<16xi32>
      %shift_right_arithmetic3A = arith.shrsi %bitcast_convert_type3A, %broadcast_in_dim3A_762 : vector<16xi32>
      %broadcast_in_dim3A_763 = arith.constant 532487669 : i32
      %broadcast_in_dim3A_764 = vector.broadcast %broadcast_in_dim3A_763 : i32 to vector<16xi32>
      %add3A_765 = arith.addi %shift_right_arithmetic3A, %broadcast_in_dim3A_764 : vector<16xi32>
      %bitcast_convert_type3A_766 = tpu.bitcast %add3A_765 : vector<16xi32> -> vector<16xf32>
      %div3A_767 = arith.divf %max3A_760, %bitcast_convert_type3A_766 : vector<16xf32>
      %add3A_768 = arith.addf %bitcast_convert_type3A_766, %div3A_767 : vector<16xf32>
      %mul3A_769 = arith.constant 5.000000e-01 : f32
      %mul3A_770 = vector.broadcast %mul3A_769 : f32 to vector<16xf32>
      %mul3A_771 = arith.mulf %mul3A_770, %add3A_768 : vector<16xf32>
      %div3A_772 = arith.divf %max3A_760, %mul3A_771 : vector<16xf32>
      %add3A_773 = arith.addf %mul3A_771, %div3A_772 : vector<16xf32>
      %mul3A_774 = arith.constant 5.000000e-01 : f32
      %mul3A_775 = vector.broadcast %mul3A_774 : f32 to vector<16xf32>
      %mul3A_776 = arith.mulf %mul3A_775, %add3A_773 : vector<16xf32>
      %div3A_777 = arith.divf %max3A_760, %mul3A_776 : vector<16xf32>
      %add3A_778 = arith.addf %mul3A_776, %div3A_777 : vector<16xf32>
      %mul3A_779 = arith.constant 5.000000e-01 : f32
      %mul3A_780 = vector.broadcast %mul3A_779 : f32 to vector<16xf32>
      %mul3A_781 = arith.mulf %mul3A_780, %add3A_778 : vector<16xf32>
      %iota3A = tpu.iota {dimensions = array<i32: 0>} : vector<16xi32>
      %broadcast_in_dim3A_782 = arith.constant 15 : i32
      %broadcast_in_dim3A_783 = vector.broadcast %broadcast_in_dim3A_782 : i32 to vector<16xi32>
      %broadcast_in_dim3A_784 = arith.constant 8 : i32
      %broadcast_in_dim3A_785 = vector.broadcast %broadcast_in_dim3A_784 : i32 to vector<16xi32>
      %add3A_786 = arith.addi %iota3A, %broadcast_in_dim3A_785 : vector<16xi32>
      %and3A_787 = arith.andi %add3A_786, %broadcast_in_dim3A_783 : vector<16xi32>
      %broadcast_in_dim3A_788 = vector.shape_cast %and3A_787 : vector<16xi32> to vector<16x1xi32>
      %gather3A_789 = vector.shape_cast %broadcast_in_dim3A_788 : vector<16x1xi32> to vector<16xi32>
      %gather3A_790 = tpu.dynamic_gather %mul3A_781[%gather3A_789] in [0] : vector<16xf32>, vector<16xi32> -> vector<16xf32>
      %max3A_791 = arith.maximumf %mul3A_781, %gather3A_790 : vector<16xf32>
      %broadcast_in_dim3A_792 = arith.constant 4 : i32
      %broadcast_in_dim3A_793 = vector.broadcast %broadcast_in_dim3A_792 : i32 to vector<16xi32>
      %add3A_794 = arith.addi %iota3A, %broadcast_in_dim3A_793 : vector<16xi32>
      %and3A_795 = arith.andi %add3A_794, %broadcast_in_dim3A_783 : vector<16xi32>
      %broadcast_in_dim3A_796 = vector.shape_cast %and3A_795 : vector<16xi32> to vector<16x1xi32>
      %gather3A_797 = vector.shape_cast %broadcast_in_dim3A_796 : vector<16x1xi32> to vector<16xi32>
      %gather3A_798 = tpu.dynamic_gather %max3A_791[%gather3A_797] in [0] : vector<16xf32>, vector<16xi32> -> vector<16xf32>
      %max3A_799 = arith.maximumf %max3A_791, %gather3A_798 : vector<16xf32>
      %broadcast_in_dim3A_800 = arith.constant 2 : i32
      %broadcast_in_dim3A_801 = vector.broadcast %broadcast_in_dim3A_800 : i32 to vector<16xi32>
      %add3A_802 = arith.addi %iota3A, %broadcast_in_dim3A_801 : vector<16xi32>
      %and3A_803 = arith.andi %add3A_802, %broadcast_in_dim3A_783 : vector<16xi32>
      %broadcast_in_dim3A_804 = vector.shape_cast %and3A_803 : vector<16xi32> to vector<16x1xi32>
      %gather3A_805 = vector.shape_cast %broadcast_in_dim3A_804 : vector<16x1xi32> to vector<16xi32>
      %gather3A_806 = tpu.dynamic_gather %max3A_799[%gather3A_805] in [0] : vector<16xf32>, vector<16xi32> -> vector<16xf32>
      %max3A_807 = arith.maximumf %max3A_799, %gather3A_806 : vector<16xf32>
      %broadcast_in_dim3A_808 = arith.constant 1 : i32
      %broadcast_in_dim3A_809 = vector.broadcast %broadcast_in_dim3A_808 : i32 to vector<16xi32>
      %add3A_810 = arith.addi %iota3A, %broadcast_in_dim3A_809 : vector<16xi32>
      %and3A_811 = arith.andi %add3A_810, %broadcast_in_dim3A_783 : vector<16xi32>
      %broadcast_in_dim3A_812 = vector.shape_cast %and3A_811 : vector<16xi32> to vector<16x1xi32>
      %gather3A_813 = vector.shape_cast %broadcast_in_dim3A_812 : vector<16x1xi32> to vector<16xi32>
      %gather3A_814 = tpu.dynamic_gather %max3A_807[%gather3A_813] in [0] : vector<16xf32>, vector<16xi32> -> vector<16xf32>
      %max3A_815 = arith.maximumf %max3A_807, %gather3A_814 : vector<16xf32>
      %sub3A_816 = arith.subf %mul3A_781, %max3A_815 : vector<16xf32>
      %exp3A_817 = math.exp %sub3A_816 : vector<16xf32>
      %broadcast_in_dim3A_818 = arith.constant 8 : i32
      %broadcast_in_dim3A_819 = vector.broadcast %broadcast_in_dim3A_818 : i32 to vector<16xi32>
      %add3A_820 = arith.addi %iota3A, %broadcast_in_dim3A_819 : vector<16xi32>
      %and3A_821 = arith.andi %add3A_820, %broadcast_in_dim3A_783 : vector<16xi32>
      %broadcast_in_dim3A_822 = vector.shape_cast %and3A_821 : vector<16xi32> to vector<16x1xi32>
      %gather3A_823 = vector.shape_cast %broadcast_in_dim3A_822 : vector<16x1xi32> to vector<16xi32>
      %gather3A_824 = tpu.dynamic_gather %exp3A_817[%gather3A_823] in [0] : vector<16xf32>, vector<16xi32> -> vector<16xf32>
      %add3A_825 = arith.addf %exp3A_817, %gather3A_824 : vector<16xf32>
      %broadcast_in_dim3A_826 = arith.constant 4 : i32
      %broadcast_in_dim3A_827 = vector.broadcast %broadcast_in_dim3A_826 : i32 to vector<16xi32>
      %add3A_828 = arith.addi %iota3A, %broadcast_in_dim3A_827 : vector<16xi32>
      %and3A_829 = arith.andi %add3A_828, %broadcast_in_dim3A_783 : vector<16xi32>
      %broadcast_in_dim3A_830 = vector.shape_cast %and3A_829 : vector<16xi32> to vector<16x1xi32>
      %gather3A_831 = vector.shape_cast %broadcast_in_dim3A_830 : vector<16x1xi32> to vector<16xi32>
      %gather3A_832 = tpu.dynamic_gather %add3A_825[%gather3A_831] in [0] : vector<16xf32>, vector<16xi32> -> vector<16xf32>
      %add3A_833 = arith.addf %add3A_825, %gather3A_832 : vector<16xf32>
      %broadcast_in_dim3A_834 = arith.constant 2 : i32
      %broadcast_in_dim3A_835 = vector.broadcast %broadcast_in_dim3A_834 : i32 to vector<16xi32>
      %add3A_836 = arith.addi %iota3A, %broadcast_in_dim3A_835 : vector<16xi32>
      %and3A_837 = arith.andi %add3A_836, %broadcast_in_dim3A_783 : vector<16xi32>
      %broadcast_in_dim3A_838 = vector.shape_cast %and3A_837 : vector<16xi32> to vector<16x1xi32>
      %gather3A_839 = vector.shape_cast %broadcast_in_dim3A_838 : vector<16x1xi32> to vector<16xi32>
      %gather3A_840 = tpu.dynamic_gather %add3A_833[%gather3A_839] in [0] : vector<16xf32>, vector<16xi32> -> vector<16xf32>
      %add3A_841 = arith.addf %add3A_833, %gather3A_840 : vector<16xf32>
      %broadcast_in_dim3A_842 = arith.constant 1 : i32
      %broadcast_in_dim3A_843 = vector.broadcast %broadcast_in_dim3A_842 : i32 to vector<16xi32>
      %add3A_844 = arith.addi %iota3A, %broadcast_in_dim3A_843 : vector<16xi32>
      %and3A_845 = arith.andi %add3A_844, %broadcast_in_dim3A_783 : vector<16xi32>
      %broadcast_in_dim3A_846 = vector.shape_cast %and3A_845 : vector<16xi32> to vector<16x1xi32>
      %gather3A_847 = vector.shape_cast %broadcast_in_dim3A_846 : vector<16x1xi32> to vector<16xi32>
      %gather3A_848 = tpu.dynamic_gather %add3A_841[%gather3A_847] in [0] : vector<16xf32>, vector<16xi32> -> vector<16xf32>
      %add3A_849 = arith.addf %add3A_841, %gather3A_848 : vector<16xf32>
      %div3A_850 = arith.divf %exp3A_817, %add3A_849 : vector<16xf32>
      %swap3A = arith.constant 0 : index
      %swap3A_851 = tpu.vector_load %arg5[%swap3A] {strides = array<i32>} : memref<16xf32, #tpu.memory_space<vmem>>, vector<16xf32>,
      %swap3A_852 = vector.shape_cast %swap3A_851 : vector<16xf32> to vector<16xf32>
      %swap3A_853 = vector.shape_cast %div3A_850 : vector<16xf32> to vector<16xf32>
      tpu.vector_store %arg5[%swap3A], %swap3A_853 {strides = array<i32>} : memref<16xf32, #tpu.memory_space<vmem>>, vector<16xf32>,
      "tpu.region"() ({
        %run_scoped3A = tpu.sem_alloc : memref<!tpu.dma_semaphore, #tpu.memory_space<semaphore_mem>>
        tpu.enqueue_dma source(%arg5 : memref<16xf32, #tpu.memory_space<vmem>>) target(%arg3 : memref<16xf32, #tpu.memory_space<hbm>>) target_semaphore(%run_scoped3A : memref<!tpu.dma_semaphore, #tpu.memory_space<semaphore_mem>>)
        tpu.wait_dma2 semaphore(%run_scoped3A : memref<!tpu.dma_semaphore, #tpu.memory_space<semaphore_mem>>) src(%arg5 : memref<16xf32, #tpu.memory_space<vmem>>) dst(%arg3 : memref<16xf32, #tpu.memory_space<hbm>>)
        tpu.yield
      }) : () -> ()
    } else {
    }
    return
  }
}

</mosaic_0001>

<sc_bundles>
// kernel: kernel.3.cloned.1.call-start
scs
__scs_entry_jumppad:
0x0: {  	(pc) =	sbr.rel $0x88, $3  }
0x1: {  	(tag) =	ssettag $0x0;
	lr =	simm.s32 $0x1  }
0x2: {  	[smem:$0x3F9B] =	sst lr;
	_ =	strace $0xD0000000  }
0x3: {  	_ = 	snop  }
0x4: {  	_ = 	snop  }
0x5: {  	_ = 	snop  }
0x6: {  	_ = 	snop  }
0x7: {  	_ = 	snop  }
__scs_overlays_trampoline_lowered:
0x8: {  	[smem:$0x3FAA] =	sst s0  }
0x9: {  	[smem:$0x3FAB] =	sst s1  }
0xa: {  	[smem:$0x3FAC] =	sst s2  }
0xb: {  	[smem:$0x3FAD] =	sst s3  }
0xc: {  	[smem:$0x3FAE] =	sst s4  }
0xd: {  	[smem:$0x3FAF] =	sst s5  }
0xe: {  	[smem:$0x3FB0] =	sst s6  }
0xf: {  	[smem:$0x3FB1] =	sst s7  }
0x10: {  	[smem:$0x3FB2] =	sst s8  }
0x11: {  	[smem:$0x3FB3] =	sst s9;
	s0 =	simm.s32 @!p0 $0x0  }
0x12: {  	s1 =	sld [smem:$0x3F99];
	s0 =	simm.s32 @p0 $0x1  }
0x13: {  	[smem:$0x3FB4] =	sst s0;
	s0 =	simm.s32 @!p1 $0x0  }
0x14: {  	s2 =	sld [smem:$0x3F98];
	s0 =	simm.s32 @p1 $0x1  }
0x15: {  	[smem:$0x3FB5] =	sst s0;
	s0 =	simm.s32 @!p2 $0x0  }
0x16: {  	s3 =	sld [smem:$0x3FDB];
	s0 =	simm.s32 @p2 $0x1  }
0x17: {  	s4 =	simm.s32 $0x1BF5;
	[smem:$0x3FB7] =	sst s0  }
0x18: {  	s0 =	sld [smem:$0x3F9A];
	_ =	swait.ge [sflag:s4], $0x0  }
0x19: {  	s7 =	sld [smem:$0x3F9B]  }
0x1a: {  	s8 =	sadd.s32 $0xFFFFE003, lr  }
0x1b: {  	s9 =	sadd.s32 $0xFFFFFEF7, lr;
	s5 =	simm.s32 $0xFFFFFFFF;
	p2 =	slt.u32 s8, $0xFFFFF086  }
0x1c: {  	p1 =	slt.u32 s9, $0xF7A;
	s5 =	simm.s32 @!p2 $0x0  }
0x1d: {  	s5 =	simm.s32 @p1 $0x1;
	p0 =	seq.s32 s7, s2  }
0x1e: {  	s7 =	smul.u32 @!p0 $0xF7A, s2;
	p2 =	seq.s32 @!p0 s5, $0x0  }
0x1f: {  	s9 =	smul.u32 $0xF7A, s1;
	s8 =	simm.s32 @!p0 $0x1BF5;
	p2 =	por !p2, p0  }
0x20: {  	[sflag:s8] =	ssyncset.s32 @!p0 $0xFFFFF086;
	s6 =	sadd.s32 @!p0 s3, s7;
	s7 =	simm.s32 @!p0 $0x108  }
0x21: {  	s3 =	sadd.s32 s3, s9;
	s6 =	sadd.s32 @!p0 $0x88, s6;
	s7 =	simm.s32 @p2 $0x1082  }
0x22: {  	[simem:s7], [sflag:s8] =	dma.local @!p0 [hbm:s6], $0xF7A  }
0x23: {  	s9 =	sor.u32 $0xD0000000, s2;
	s6 =	simm.s32 $0x108;
	_ =	swait.ge @!p0 [sflag:s8], $0x0  }
0x24: {  	s3 =	sadd.s32 $0x88, s3;
	s6 =	simm.s32 @!p1 $0x1082;
	[sflag:s4] =	ssyncset.s32 $0xFFFFF086  }
0x25: {  	[simem:s6], [sflag:s4] =	dma.local [hbm:s3], $0xF7A  }
0x26: {  	[smem:$0x3F9B] =	sst s1;
	(tag) =	ssettag s2;
	_ =	strace s9  }
0x27: {  	s1 =	sld [smem:$0x3FAB]  }
0x28: {  	s2 =	sld [smem:$0x3FAC]  }
0x29: {  	s4 =	sld [smem:$0x3FAE]  }
0x2a: {  	p0 =	seq.s32 s5, $0x0;
	s5 =	sld [smem:$0x3FAF]  }
0x2b: {  	s6 =	sld [smem:$0x3FB0]  }
0x2c: {  	s7 =	sld [smem:$0x3FB1]  }
0x2d: {  	s3 =	simm.s32 $0x108;
	s8 =	sld [smem:$0x3FB2]  }
0x2e: {  	s3 =	simm.s32 @!p0 $0x1082;
	s9 =	sld [smem:$0x3FB3]  }
0x2f: {  	lr =	sadd.s32 s0, s3;
	s0 =	sld [smem:$0x3FAA]  }
0x30: {  	s3 =	sld [smem:$0x3FAD]  }
0x31: {  	[smem:$0x3FB6] =	sst s10  }
0x32: {  	s10 =	sld [smem:$0x3FB4];
	_ =	sdelay $0x3  }
0x33: {  	p0 =	seq.s32 s10, $0x1;
	s10 =	sld [smem:$0x3FB6];
	_ =	sdelay $0x3  }
0x34: {  	[smem:$0x3FB6] =	sst s10  }
0x35: {  	s10 =	sld [smem:$0x3FB5];
	_ =	sdelay $0x3  }
0x36: {  	p1 =	seq.s32 s10, $0x1;
	s10 =	sld [smem:$0x3FB6];
	_ =	sdelay $0x3  }
0x37: {  	[smem:$0x3FB6] =	sst s10  }
0x38: {  	s10 =	sld [smem:$0x3FB7]  }
0x39: {  	_ = 	snop;
	(pc) =	sbr.ind lr, $3  }
0x3a: {  	_ = 	snop  }
0x3b: {  	_ = 	snop  }
0x3c: {  	p2 =	seq.s32 s10, $0x1;
	s10 =	sld [smem:$0x3FB6]  }
0x3d: {  	_ =	shalt  }
0x3e: {  	_ =	shalt  }
0x3f: {  	_ =	shalt  }
0x40: {  	_ =	shalt  }
0x41: {  	_ =	shalt  }
0x42: {  	_ =	shalt  }
0x43: {  	_ =	shalt  }
0x44: {  	_ =	shalt  }
0x45: {  	_ =	shalt  }
0x46: {  	_ =	shalt  }
0x47: {  	_ =	shalt  }
0x48: {  	_ =	shalt  }
0x49: {  	_ =	shalt  }
0x4a: {  	_ =	shalt  }
0x4b: {  	_ =	shalt  }
0x4c: {  	_ =	shalt  }
0x4d: {  	_ =	shalt  }
0x4e: {  	_ =	shalt  }
0x4f: {  	_ =	shalt  }
0x50: {  	_ =	shalt  }
0x51: {  	_ =	shalt  }
0x52: {  	_ =	shalt  }
0x53: {  	_ =	shalt  }
0x54: {  	_ =	shalt  }
0x55: {  	_ =	shalt  }
0x56: {  	_ =	shalt  }
0x57: {  	_ =	shalt  }
0x58: {  	_ =	shalt  }
0x59: {  	_ =	shalt  }
0x5a: {  	_ =	shalt  }
0x5b: {  	_ =	shalt  }
0x5c: {  	_ =	shalt  }
0x5d: {  	_ =	shalt  }
0x5e: {  	_ =	shalt  }
0x5f: {  	_ =	shalt  }
0x60: {  	_ =	shalt  }
0x61: {  	_ =	shalt  }
0x62: {  	_ =	shalt  }
0x63: {  	_ =	shalt  }
0x64: {  	_ =	shalt  }
0x65: {  	_ =	shalt  }
0x66: {  	_ =	shalt  }
0x67: {  	_ =	shalt  }
0x68: {  	_ =	shalt  }
0x69: {  	_ =	shalt  }
0x6a: {  	_ =	shalt  }
0x6b: {  	_ =	shalt  }
0x6c: {  	_ =	shalt  }
0x6d: {  	_ =	shalt  }
0x6e: {  	_ =	shalt  }
0x6f: {  	_ =	shalt  }
0x70: {  	_ =	shalt  }
0x71: {  	_ =	shalt  }
0x72: {  	_ =	shalt  }
0x73: {  	_ =	shalt  }
0x74: {  	_ =	shalt  }
0x75: {  	_ =	shalt  }
0x76: {  	_ =	shalt  }
0x77: {  	_ =	shalt  }
0x78: {  	_ =	shalt  }
0x79: {  	_ =	shalt  }
0x7a: {  	_ =	shalt  }
0x7b: {  	_ =	shalt  }
0x7c: {  	_ =	shalt  }
0x7d: {  	_ =	shalt  }
0x7e: {  	_ =	shalt  }
0x7f: {  	_ =	shalt  }
0x80: {  	_ =	shalt  }
0x81: {  	_ =	shalt  }
0x82: {  	_ =	shalt  }
0x83: {  	_ =	shalt  }
0x84: {  	_ =	shalt  }
0x85: {  	_ =	shalt  }
0x86: {  	_ =	shalt  }
0x87: {  	_ =	shalt  }
.Lfunc_end0:
.L_simem_size_0:
called_computation_lowered:
.L_overlay_start_0:
0x88: {  	s0 =	sld [smem:$0x3FD9]  }
0x89: {  	s1 =	sld [smem:$0x3FFE];
	_ =	sdelay $0x3  }
0x8a: {  	s0 =	sadd.s32 s1, s0  }
0x8b: {  	[smem:$0x3FC2] =	sst s0  }
0x8c: {  	_ = 	snop  }
0x8d: {  	s0 =	sld [smem:$0x3FD0];
	(tm) =	ssettm $0x1  }
0x8e: {  	s16 =	sld [smem:$0x3FFB];
	_ =	sdelay $0x3  }
0x8f: {  	_ =	strace s16  }
0x90: {  	s1 =	sld [smem:$0x3FFC];
	_ =	sdelay $0x3  }
0x91: {  	_ =	strace s1  }
0x92: {  	s1 =	sld [smem:$0x3FFD];
	_ =	sdelay $0x3  }
0x93: {  	_ =	strace s1  }
0x94: {  	_ =	strace $0x8FFFFFFF  }
0x95: {  	s17 =	sld [smem:$0x3FDB];
	_ =	sdelay $0x1  }
0x96: {  	s2 =	simm.s32 $_scs_section_size  }
0x97: {  	s3 =	simm.s32 $_size__tile_overlayer_lowered;
	s4 =	simm.s32 $_tile_overlayer_lowered  }
0x98: {  	s20 =	simm.s32 $0x1BFF;
	s19 =	sshll.u32 s4, $0x1;
	s1 =	sadd.s32 s2, s17  }
0x99: {  	s5 =	simm.s32 $0x0;
	s18 =	sshll.u32 s3, $0x1;
	s3 =	sadd.s32 s19, s1  }
0x9a: {  	[timem:s5], [sflag:s20] =	dma.local [hbm:s3], s18  }
0x9b: {  	_ =	swait.ge [sflag:s20], s18  }
0x9c: {  	s2 =	ssub.s32 $0x0, s18;
	[sflag:s20] =	ssyncset.done $0x0  }
0x9d: {  	[sflag:s20] =	ssyncadd.s32 s2;
	_ =	sdelay $0x1  }
0x9e: {  	s21 =	simm.s32 $0x1B8B  }
0x9f: {  	_ =	swait.ge [sflag:s21], $0x1  }
0xa0: {  	[sflag:s21] =	ssyncset.done $0x0  }
0xa1: {  	s23 =	simm.s32 $0x1B8E;
	s22 =	sld [smem:$0x3FFE];
	[sflag:s21] =	ssyncadd.s32 $0xFFFFFFFF  }
0xa2: {  	s24 =	simm.s32 $execute0_lowered;
	[smem:$0x3FD2] =	sst s23  }
0xa3: {  	s3 =	sshll.u32 s24, $0x1;
	_ =	strace $0x80000046;
	[dreg:$0x1] =	wrdreg $0xFFFFFFFF  }
0xa4: {  	s25 =	simm.s32 $_size_execute0_lowered;
	s1 =	sadd.s32 s1, s3;
	[dreg:$0x0] =	wrdreg $0x0  }
0xa5: {  	s3 =	sshll.u32 s25, $0x1;
	[dreg:$0x2] =	wrdreg s1  }
0xa6: {  	[dreg:$0x3] =	wrdreg s3  }
0xa7: {  	[dreg:$0x4] =	wrdreg $0xC0  }
0xa8: {  	_ =	task [dreg:s5], $0x5FFFF  }
0xa9: {  	[dreg:$0x1] =	wrdreg $0xFFFFFFFF  }
0xaa: {  	[dreg:$0x0] =	wrdreg $0x60  }
0xab: {  	[dreg:$0x2] =	wrdreg s22  }
0xac: {  	[dreg:$0x3] =	wrdreg s0  }
0xad: {  	[dreg:$0x4] =	wrdreg $0x9  }
0xae: {  	_ =	task.clear_ibuf [dreg:s5], $0x5FFFF;
	_ =	strace $0x90000046  }
0xaf: {  	s26 =	simm.s32 $0x9;
	_ =	strace $0x80000048  }
0xb0: {  	_ =	swait.ge [sflag:s26], $0x1  }
0xb1: {  	[sflag:s26] =	ssyncadd.s32 $0xFFFFFFFF  }
0xb2: {  	_ =	strace $0x90000048  }
0xb3: {  	_ =	sfence  }
0xb4: {  	s28 =	sld [smem:$0x0];
	_ =	sdelay $0x1  }
0xb5: {  	s29 =	srdreg.scid  }
0xb6: {  	s30 =	sshll.u32 s29, $0xD;
	s31 =	sshrl.u32 s29, $0x2  }
0xb7: {  	s2 =	sand.u32 $0x4000, s30;
	s1 =	sand.u32 $0x1, s29;
	s0 =	sadd.s32 s31, s28  }
0xb8: {  	s1 =	sor.u32 s2, s1;
	s0 =	sshll.u32 s0, $0x11  }
0xb9: {  	s0 =	sor.u32 s0, s1  }
0xba: {  	s0 =	sadd.s32 $0x8F2B, s0  }
0xbb: {  	[sflag:s0] =	ssyncadd.remote.s32 $0x1  }
0xbc: {  	_ =	sfence.sel $0xFFFF  }
0xbd: {  	[dreg:$0x0] =	wrdreg $0xFFFFFFFF;
	(pc) =	sbr.abs _section_cstart, $3  }
0xbe: {  	[dreg:$0x1] =	wrdreg $0xFFFFFFFF  }
0xbf: {  	_ =	task.clear_ibuf [dreg:s5], $0x2FFFF;
	_ =	strace $0x9FFFFFFF  }
0xc0: {  	(tm) =	ssettm $0x7FFFFFFF  }
0xc1: {  	_ =	shalt  }
tec
execute0_lowered:
.L_overlay_start_1:
0x0: {  	(tag) =	ssettag $0x1  }
0x1: {  	s2 =	rddreg [dreg:$0x0]  }
0x2: {  	s1 =	rddreg [dreg:$0x1];
	s3 =	stileid.u32  }
0x3: {  	s0 =	rddreg [dreg:$0x2];
	_ =	strace $0x80000047;
	p0 =	sne.s32 s3, $0x0  }
0x4: {  	_ =	sfence.sel @p0 $0x180000  }
0x5: {  	[bflag:$0x0] =	sbarrier.arrive @p0 $0xFFFF  }
0x6: {  	_ =	strace @p0 $0x90000047  }
0x7: {  	[bflag:$0x2] =	sbarrier.arrive @p0 $0xFFFF  }
0x8: {  	_ =	shalt @p0  }
.LBB2_1:
0x9: {  	s2 =	sadd.s32 $0x1000, s2;
	s3 =	simm.s32 $0x0;
	s31 =	simm.s32 $0x1  }
0xa: {  	[tilespmem:s3], [sflag:$0x1] =	stream.linear.gather [hbm4b:s2+s3], $0x200, $0x38;
	[tilespmem:$0x280] =	vst v63  }
0xb: {  	_ =	swait.ge [sflag:s31], $0x200  }
0xc: {  	[sflag:s31] =	ssyncset.done $0x0  }
0xd: {  	[sflag:s31] =	ssyncadd.s32 $0xFFFFFE00  }
0xe: {  	v2 =	vld [tilespmem:$0x0];
	_ =	sdelay $0x4  }
0xf: {  	v0 =	vadd.f32 $-5.000000000e-01, v2;
	_ =	sdelay $0x1  }
0x10: {  	v0 =	vmul.f32 $-1.000000000e+01, v0;
	_ =	sdelay $0x1  }
0x11: {  	v0 =	vmul.f32 $1.442695020e+00, v0;
	_ =	sdelay $0x1  }
0x12: {  	(erf) = vpow2.f32 v0;
	_ =	sdelay $0x1  }
0x13: {  	v0 =	vld [tilespmem:$0x10];
	_ =	sdelay $0x4  }
0x14: {  	v1 =	vadd.f32 $-5.000000000e-01, v0;
	_ =	sdelay $0x1  }
0x15: {  	v1 =	vmul.f32 $-1.000000000e+01, v1;
	v3 =	vpop (erf)  }
0x16: {  	v3 =	vadd.f32 $1.000000000e+00, v3  }
0x17: {  	v1 =	vmul.f32 $1.442695020e+00, v1  }
0x18: {  	v15 =	vld [tilespmem:$0x1C0];
	(erf) = vrcp.f32 v3  }
0x19: {  	(erf) = vpow2.f32 v1  }
0x1a: {  	v20 =	vimm.s32 $0x0;
	v18 =	vimm.s32 $0x1;
	v34 =	vimm.s32 $0x2  }
0x1b: {  	v35 =	vimm.s32 $0x3;
	v36 =	vimm.s32 $0x4;
	v38 =	vimm.s32 $0x5  }
0x1c: {  	v4 =	vimm.s32 $0x6;
	v39 =	vimm.s32 $0x7;
	v40 =	vimm.s32 $0x8  }
0x1d: {  	v41 =	vimm.s32 $0x9;
	v42 =	vimm.s32 $0xA;
	v22 =	vperm.xlane v15, v20  }
0x1e: {  	v43 =	vimm.s32 $0xB;
	v24 =	vld [tilespmem:$0x40];
	v21 =	vperm.xlane v15, v18;
	v12 =	vperm.xlane v15, v34  }
0x1f: {  	v44 =	vimm.s32 $0xC;
	v25 =	vld [tilespmem:$0x50];
	v13 =	vperm.xlane v15, v35;
	v10 =	vperm.xlane v15, v36  }
0x20: {  	v46 =	vimm.s32 $0xD;
	v14 =	vperm.xlane v15, v38;
	v11 =	vperm.xlane v15, v4  }
0x21: {  	v30 =	vimm.s32 $0xE;
	v32 =	vld [tilespmem:$0x1D0];
	v7 =	vperm.xlane v15, v39;
	v8 =	vperm.xlane v15, v40;
	v23 =	vpop (erf)  }
0x22: {  	v31 =	vimm.s32 $0xF;
	v9 =	vperm.xlane v15, v41;
	v5 =	vperm.xlane v15, v42;
	v37 =	vpop (erf)  }
0x23: {  	v6 =	vperm.xlane v15, v43;
	v45 =	vsub.f32 v24, v12;
	v1 =	vadd.f32 $1.000000000e+00, v37  }
0x24: {  	v4 =	vperm.xlane v15, v44;
	v16 =	vsub.f32 v24, v22;
	v17 =	vsub.f32 v25, v21  }
0x25: {  	v19 =	vsub.f32 v25, v13;
	(erf) = vrcp.f32 v1;
	v1 =	vmul.f32 v45, v45  }
0x26: {  	v18 =	vperm.xlane v32, v18;
	v26 =	vsub.f32 v24, v10;
	v29 =	vsub.f32 v25, v14  }
0x27: {  	v49 =	vsub.f32 v24, v11;
	v52 =	vsub.f32 v25, v7;
	v27 =	vmul.f32 v23, v1;
	v1 =	vld [tilespmem:$0x20]  }
0x28: {  	v53 =	vsub.f32 v24, v8;
	v54 =	vsub.f32 v25, v9;
	v16 =	vmul.f32 v16, v16  }
0x29: {  	v33 =	vsub.f32 v24, v5;
	v17 =	vmul.f32 v17, v17;
	v19 =	vmul.f32 v19, v19  }
0x2a: {  	v34 =	vsub.f32 v25, v6;
	v26 =	vmul.f32 v26, v26;
	v29 =	vmul.f32 v29, v29  }
0x2b: {  	v61 =	vsub.f32 v24, v4;
	v51 =	vmul.f32 v49, v49;
	v3 =	vperm.xlane v15, v46  }
0x2c: {  	v33 =	vmul.f32 v33, v33;
	v16 =	vmul.f32 v23, v16;
	v48 =	vadd.f32 $-5.000000000e-01, v1  }
0x2d: {  	v58 =	vmul.f32 v34, v34;
	v38 =	vsub.f32 v25, v3;
	v26 =	vmul.f32 v23, v26  }
0x2e: {  	v57 =	vmul.f32 v23, v33;
	v16 =	vadd.f32 $0.0e+00, v16;
	v28 =	vpop (erf);
	v50 =	vmul.f32 $-1.000000000e+01, v48  }
0x2f: {  	v26 =	vadd.f32 $0.0e+00, v26;
	v17 =	vmul.f32 v28, v17;
	v19 =	vmul.f32 v28, v19  }
0x30: {  	v27 =	vadd.f32 $0.0e+00, v27;
	v47 =	vmul.f32 v28, v29;
	v29 =	vmul.f32 v52, v52  }
0x31: {  	v60 =	vmul.f32 v28, v58;
	v17 =	vadd.f32 v17, v16;
	v16 =	vperm.xlane v15, v30  }
0x32: {  	v19 =	vadd.f32 v19, v27;
	v15 =	vperm.xlane v15, v31;
	v27 =	vmul.f32 $1.442695020e+00, v50  }
0x33: {  	v59 =	vadd.f32 $0.0e+00, v57;
	v30 =	vmul.f32 v53, v53;
	v31 =	vmul.f32 v54, v54  }
0x34: {  	v26 =	vadd.f32 v47, v26;
	v29 =	vmul.f32 v28, v29;
	(erf) = vpow2.f32 v27  }
0x35: {  	vm2 =	vlt.f32 v19, v17;
	v30 =	vmul.f32 v23, v30;
	v56 =	vmul.f32 v28, v31  }
0x36: {  	v39 =	vsub.f32 v24, v16;
	v19 =	vsel vm2, v19, v17;
	v17 =	vmul.f32 v23, v51  }
0x37: {  	v35 =	vsub.f32 v25, v15;
	v25 =	vsub.f32 v25, v18;
	v63 =	vsel vm2, $0x1, v20  }
0x38: {  	vm0 =	vlt.f32 v26, v19;
	v40 =	vmul.f32 v39, v39;
	v55 =	vadd.f32 $0.0e+00, v17  }
0x39: {  	v30 =	vadd.f32 $0.0e+00, v30;
	v42 =	vmul.f32 v35, v35;
	v44 =	vmul.f32 v25, v25;
	v17 =	vld [tilespmem:$0x30]  }
0x3a: {  	v26 =	vsel vm0, v26, v19;
	v19 =	vperm.xlane v32, v20;
	v27 =	vadd.f32 v29, v55  }
0x3b: {  	v32 =	vmul.f32 v38, v38;
	v45 =	vsel vm0, $0x2, v63;
	v29 =	vadd.f32 v56, v30  }
0x3c: {  	v30 =	vadd.f32 v60, v59;
	v24 =	vsub.f32 v24, v19;
	vm1 =	vlt.f32 v27, v26  }
0x3d: {  	v41 =	vmul.f32 v28, v32;
	v26 =	vsel vm1, v27, v26;
	v27 =	vmul.f32 v61, v61  }
0x3e: {  	v62 =	vadd.f32 $-5.000000000e-01, v17;
	v25 =	vsel vm1, $0x3, v45;
	vm7 =	vlt.f32 v29, v26;
	v36 =	vpop (erf)  }
0x3f: {  	v26 =	vsel vm7, v29, v26;
	v29 =	vadd.f32 $1.000000000e+00, v36;
	v27 =	vmul.f32 v23, v27  }
0x40: {  	v24 =	vmul.f32 v24, v24;
	v37 =	vmul.f32 $-1.000000000e+01, v62;
	v25 =	vsel vm7, $0x4, v25  }
0x41: {  	vm3 =	vlt.f32 v30, v26;
	(erf) = vrcp.f32 v29;
	v27 =	vadd.f32 $0.0e+00, v27  }
0x42: {  	v29 =	vmul.f32 v23, v40;
	v23 =	vmul.f32 v23, v24;
	v46 =	vsel vm3, $0x5, v25;
	v25 =	vld [tilespmem:$0x60]  }
0x43: {  	v43 =	vmul.f32 v28, v42;
	v31 =	vmul.f32 $1.442695020e+00, v37;
	v27 =	vadd.f32 v41, v27  }
0x44: {  	v24 =	vmul.f32 v28, v44;
	v29 =	vadd.f32 $0.0e+00, v29;
	v23 =	vadd.f32 $0.0e+00, v23  }
0x45: {  	v26 =	vsel vm3, v30, v26;
	(erf) = vpow2.f32 v31  }
0x46: {  	vm8 =	vlt.f32 v27, v26;
	v29 =	vadd.f32 v43, v29;
	v23 =	vadd.f32 v24, v23  }
0x47: {  	v26 =	vsel vm8, v27, v26;
	v24 =	vsel vm8, $0x6, v46;
	v54 =	vsub.f32 v25, v12  }
0x48: {  	v58 =	vsub.f32 v25, v10;
	v61 =	vsub.f32 v25, v11;
	vm1 =	vlt.f32 v29, v26  }
0x49: {  	v43 =	vsub.f32 v25, v8;
	v45 =	vsub.f32 v25, v5;
	v47 =	vsel vm1, v29, v26  }
0x4a: {  	v49 =	vsel vm1, $0x7, v24;
	v56 =	vmul.f32 v54, v54;
	v33 =	vmul.f32 v58, v58  }
0x4b: {  	vm9 =	vlt.f32 v23, v47;
	v23 =	vadd.f32 $0.0e+00, v22;
	v22 =	vsub.f32 v25, v22  }
0x4c: {  	v24 =	vadd.f32 $0.0e+00, v21;
	v63 =	vmul.f32 v61, v61;
	v44 =	vmul.f32 v43, v43;
	v27 =	vpop (erf)  }
0x4d: {  	vm0 =	vmneg vm9;
	v22 =	vmul.f32 v22, v22;
	v31 =	vmul.f32 v27, v56  }
0x4e: {  	v28 =	vnsel vm0, $0x8, v49;
	v33 =	vmul.f32 v27, v33;
	v41 =	vmul.f32 v27, v63  }
0x4f: {  	vm4 =	vmand vm1, vm0;
	v39 =	vsel vm0, $0x0, v18;
	vm10 =	veq.s32 v28, $0x0  }
0x50: {  	v48 =	vpop (erf);
	vm11 =	veq.s32 v28, $0x1;
	vm12 =	veq.s32 v28, $0x2;
	vm13 =	veq.s32 v28, $0x3  }
0x51: {  	vm8 =	veq.s32 v28, $0x4;
	v38 =	vnsel vm4, $0x0, v15;
	v26 =	vadd.f32 $1.000000000e+00, v48  }
0x52: {  	v50 =	vnsel vm10, $0x0, v23;
	v51 =	vnsel vm11, $0x0, v12;
	v52 =	vnsel vm10, $0x0, v24  }
0x53: {  	v53 =	vnsel vm11, $0x0, v13;
	v55 =	vnsel vm12, $0x0, v10;
	v22 =	vmul.f32 v27, v22  }
0x54: {  	v59 =	vnsel vm12, $0x0, v14;
	v31 =	vadd.f32 $0.0e+00, v31;
	v37 =	vnsel vm13, $0x0, v11  }
0x55: {  	v62 =	vadd.f32 $0.0e+00, v33;
	v29 =	vadd.f32 v51, v50;
	(erf) = vrcp.f32 v26;
	v26 =	vld [tilespmem:$0x70]  }
0x56: {  	v48 =	vsub.f32 v25, v4;
	v56 =	vnsel vm8, $0x0, v8;
	v30 =	vadd.f32 v53, v52  }
0x57: {  	vm11 =	veq.s32 v28, $0x5;
	v22 =	vadd.f32 $0.0e+00, v22;
	v29 =	vadd.f32 v29, v55  }
0x58: {  	v63 =	vnsel vm8, $0x0, v9;
	v30 =	vadd.f32 v30, v59;
	v55 =	vsub.f32 v25, v16  }
0x59: {  	v53 =	vnsel vm13, $0x0, v7;
	v59 =	vsub.f32 v25, v19;
	v29 =	vadd.f32 v29, v37  }
0x5a: {  	vm12 =	veq.s32 v28, $0x6;
	v30 =	vadd.f32 v30, v53;
	v21 =	vsub.f32 v26, v21  }
0x5b: {  	v28 =	vnsel vm12, $0x0, v4;
	v57 =	vsub.f32 v26, v13;
	v36 =	vsub.f32 v26, v14  }
0x5c: {  	v40 =	vsub.f32 v26, v7;
	v47 =	vsub.f32 v26, v6;
	v21 =	vmul.f32 v21, v21  }
0x5d: {  	v49 =	vsub.f32 v26, v3;
	v32 =	vmul.f32 v57, v57;
	v60 =	vmul.f32 v36, v36  }
0x5e: {  	v37 =	vsel vm0, $0x0, v19;
	v42 =	vmul.f32 v40, v40;
	v34 =	vmul.f32 v47, v47  }
0x5f: {  	v58 =	vsub.f32 v26, v15;
	v36 =	vmul.f32 v48, v48;
	v52 =	vmul.f32 v49, v49;
	v35 =	vpop (erf)  }
0x60: {  	v46 =	vsub.f32 v26, v9;
	v21 =	vmul.f32 v35, v21;
	v32 =	vmul.f32 v35, v32  }
0x61: {  	v26 =	vsub.f32 v26, v18;
	v57 =	vmul.f32 v55, v55;
	v61 =	vmul.f32 v58, v58  }
0x62: {  	v21 =	vadd.f32 v21, v22;
	v31 =	vadd.f32 v32, v31;
	v22 =	vmul.f32 v35, v60  }
0x63: {  	v29 =	vadd.f32 v29, v56;
	v26 =	vmul.f32 v26, v26;
	v33 =	vmul.f32 v35, v42  }
0x64: {  	v32 =	vadd.f32 $0.0e+00, v41;
	vm14 =	vlt.f32 v31, v21;
	v22 =	vadd.f32 v22, v62  }
0x65: {  	v51 =	vmul.f32 v27, v36;
	v50 =	vmul.f32 v35, v34;
	v21 =	vsel vm14, v31, v21  }
0x66: {  	v32 =	vadd.f32 v33, v32;
	v33 =	vmul.f32 v46, v46;
	vm15 =	vlt.f32 v22, v21  }
0x67: {  	v31 =	vmul.f32 v45, v45;
	v21 =	vsel vm15, v22, v21;
	v22 =	vmul.f32 v27, v44  }
0x68: {  	v36 =	vnsel vm12, $0x0, v3;
	v34 =	vmul.f32 v35, v52;
	v60 =	vmul.f32 v27, v57  }
0x69: {  	v33 =	vmul.f32 v35, v33;
	v31 =	vmul.f32 v27, v31;
	v22 =	vadd.f32 $0.0e+00, v22  }
0x6a: {  	v26 =	vmul.f32 v35, v26;
	v62 =	vnsel vm11, $0x0, v5;
	v25 =	vadd.f32 $0.0e+00, v60  }
0x6b: {  	vm6 =	vlt.f32 v32, v21;
	v31 =	vadd.f32 $0.0e+00, v31;
	v22 =	vadd.f32 v33, v22  }
0x6c: {  	v20 =	vsel vm14, $0x1, v20;
	v21 =	vsel vm6, v32, v21;
	v33 =	vadd.f32 $0.0e+00, v51  }
0x6d: {  	v20 =	vsel vm15, $0x2, v20;
	v31 =	vadd.f32 v50, v31;
	vm7 =	vlt.f32 v22, v21  }
0x6e: {  	v54 =	vadd.f32 v34, v33;
	v21 =	vsel vm7, v22, v21;
	v22 =	vmul.f32 v59, v59  }
0x6f: {  	v33 =	vnsel vm11, $0x0, v6;
	v34 =	vadd.f32 v30, v63;
	vm9 =	vlt.f32 v31, v21  }
0x70: {  	v21 =	vsel vm9, v31, v21;
	v31 =	vmul.f32 v35, v61;
	v22 =	vmul.f32 v27, v22  }
0x71: {  	v29 =	vadd.f32 v29, v62;
	v20 =	vsel vm6, $0x3, v20;
	v42 =	vadd.f32 v34, v33  }
0x72: {  	vm10 =	vlt.f32 v54, v21;
	v25 =	vadd.f32 v31, v25;
	v22 =	vadd.f32 $0.0e+00, v22  }
0x73: {  	v28 =	vadd.f32 v29, v28;
	v20 =	vsel vm7, $0x4, v20;
	v21 =	vsel vm10, v54, v21  }
0x74: {  	v43 =	vadd.f32 v42, v36;
	v22 =	vadd.f32 v26, v22;
	vm13 =	vlt.f32 v25, v21  }
0x75: {  	v20 =	vsel vm9, $0x5, v20;
	v35 =	vnsel vm4, $0x0, v16;
	v21 =	vsel vm13, v25, v21  }
0x76: {  	v20 =	vsel vm10, $0x6, v20;
	v46 =	vadd.f32 v43, v38;
	vm14 =	vlt.f32 v22, v21  }
0x77: {  	v25 =	vadd.f32 v28, v35;
	v20 =	vsel vm13, $0x7, v20;
	vm1 =	vmneg vm14  }
0x78: {  	vm15 =	vgt.f32 v2, $5.000000000e-01;
	v48 =	vadd.f32 v46, v39;
	v20 =	vnsel vm1, $0x8, v20  }
0x79: {  	v21 =	vadd.f32 v25, v37;
	vm6 =	veq.s32 v20, $0x0;
	vm7 =	veq.s32 v20, $0x1  }
0x7a: {  	vm14 =	vgt.f32 v1, $5.000000000e-01;
	v40 =	vnsel vm6, $0x0, v23;
	v12 =	vnsel vm7, $0x0, v12  }
0x7b: {  	vm2 =	vmand vm13, vm1;
	vm8 =	veq.s32 v20, $0x2;
	v12 =	vadd.f32 v12, v40  }
0x7c: {  	v41 =	vnsel vm6, $0x0, v24;
	v13 =	vnsel vm7, $0x0, v13;
	v10 =	vnsel vm8, $0x0, v10  }
0x7d: {  	vm9 =	veq.s32 v20, $0x3;
	v13 =	vadd.f32 v13, v41;
	v10 =	vadd.f32 v12, v10  }
0x7e: {  	v56 =	vld [tilespmem:$0xE0];
	vm13 =	vgt.f32 v0, $5.000000000e-01;
	v45 =	vnsel vm8, $0x0, v14;
	v11 =	vnsel vm9, $0x0, v11  }
0x7f: {  	v47 =	vld [tilespmem:$0xA0];
	vm10 =	veq.s32 v20, $0x4;
	v12 =	vadd.f32 v13, v45;
	v10 =	vadd.f32 v10, v11  }
0x80: {  	v49 =	vld [tilespmem:$0xC0];
	v62 =	vsel vm1, $0x0, v19;
	v7 =	vnsel vm9, $0x0, v7;
	v8 =	vnsel vm10, $0x0, v8  }
0x81: {  	v44 =	vld [tilespmem:$0x80];
	vm11 =	veq.s32 v20, $0x5;
	v7 =	vadd.f32 v12, v7;
	v8 =	vadd.f32 v10, v8  }
0x82: {  	v55 =	vld [tilespmem:$0xD0];
	v22 =	vsel vm1, $0x0, v18;
	v9 =	vnsel vm10, $0x0, v9;
	v5 =	vnsel vm11, $0x0, v5  }
0x83: {  	v52 =	vld [tilespmem:$0xB0];
	vm12 =	veq.s32 v20, $0x6;
	v7 =	vadd.f32 v7, v9;
	v5 =	vadd.f32 v8, v5  }
0x84: {  	v60 =	vld [tilespmem:$0x120];
	v2 =	vnsel vm15, $0x0, v21;
	v6 =	vnsel vm11, $0x0, v6;
	v4 =	vnsel vm12, $0x0, v4  }
0x85: {  	v51 =	vld [tilespmem:$0x90];
	v58 =	vnsel vm2, $0x0, v16;
	v6 =	vadd.f32 v7, v6;
	v4 =	vadd.f32 v5, v4  }
0x86: {  	v29 =	vld [tilespmem:$0x170];
	v61 =	vnsel vm2, $0x0, v15;
	v50 =	vmul.f32 v2, v44;
	v3 =	vnsel vm12, $0x0, v3  }
0x87: {  	v63 =	vld [tilespmem:$0xF0];
	vm15 =	vgt.f32 v17, $5.000000000e-01;
	v3 =	vadd.f32 v6, v3;
	v4 =	vadd.f32 v4, v58  }
0x88: {  	v59 =	vld [tilespmem:$0x100];
	v54 =	vmul.f32 v2, v47;
	v2 =	vmul.f32 v2, v49;
	v53 =	vadd.f32 $0.0e+00, v50  }
0x89: {  	v30 =	vld [tilespmem:$0x1B0];
	v11 =	vnsel vm13, $0x0, v48;
	v0 =	vadd.f32 v3, v61;
	v19 =	vadd.f32 v4, v62  }
0x8a: {  	v20 =	vld [tilespmem:$0x110];
	v57 =	vadd.f32 $0.0e+00, v54;
	v2 =	vadd.f32 $0.0e+00, v2;
	v21 =	vmul.f32 v11, v51  }
0x8b: {  	v31 =	vld [tilespmem:$0x180];
	v9 =	vmul.f32 v11, v52;
	v0 =	vadd.f32 v0, v22;
	v3 =	vnsel vm14, $0x0, v19  }
0x8c: {  	v23 =	vld [tilespmem:$0x130];
	v11 =	vmul.f32 v11, v55;
	v8 =	vadd.f32 v53, v21;
	v5 =	vmul.f32 v3, v56  }
0x8d: {  	v25 =	vld [tilespmem:$0x140];
	v7 =	vadd.f32 v57, v9;
	v0 =	vnsel vm15, $0x0, v0;
	v27 =	vmul.f32 v3, v59  }
0x8e: {  	v26 =	vld [tilespmem:$0x150];
	v2 =	vadd.f32 v2, v11;
	v28 =	vmul.f32 v0, v63;
	v5 =	vadd.f32 v5, v8  }
0x8f: {  	v24 =	vld [tilespmem:$0x1A0];
	v4 =	vmul.f32 v0, v20;
	v3 =	vmul.f32 v3, v60;
	v7 =	vadd.f32 v27, v7  }
0x90: {  	v32 =	vld [tilespmem:$0x160];
	v5 =	vadd.f32 v5, v28  }
0x91: {  	v34 =	vld [tilespmem:$0x190];
	v0 =	vmul.f32 v0, v23;
	v2 =	vadd.f32 v3, v2;
	v4 =	vadd.f32 v7, v4  }
0x92: {  	v33 =	vmul.f32 v5, v25;
	v35 =	vmul.f32 v5, v29  }
0x93: {  	v0 =	vadd.f32 v2, v0;
	v37 =	vmul.f32 v4, v26  }
0x94: {  	v38 =	vmul.f32 v4, v31;
	v36 =	vadd.f32 v33, v24;
	v1 =	vadd.f32 v35, v30  }
0x95: {  	v39 =	vmul.f32 v0, v32  }
0x96: {  	v0 =	vmul.f32 v0, v34;
	v3 =	vadd.f32 v36, v37;
	v1 =	vadd.f32 v1, v38;
	_ =	sdelay $0x1  }
0x97: {  	v40 =	vadd.f32 v3, v39;
	v0 =	vadd.f32 v1, v0;
	_ =	sdelay $0x1  }
0x98: {  	v41 =	vmul.f32 v40, v40;
	v0 =	vmul.f32 v0, v0;
	_ =	sdelay $0x1  }
0x99: {  	v0 =	vadd.f32 v0, v41;
	_ =	sdelay $0x1  }
0x9a: {  	v0 =	vmax.f32 v0, $9.999999680e-21  }
0x9b: {  	v42 =	vshra.s32 v0, $0x1  }
0x9c: {  	v1 =	vadd.s32 $0x1FBD1DF5, v42  }
0x9d: {  	(erf) = vrcp.f32 v1;
	_ =	sdelay $0x8  }
0x9e: {  	v43 =	vpop (erf)  }
0x9f: {  	v2 =	vmul.f32 v43, v0;
	_ =	sdelay $0x1  }
0xa0: {  	v1 =	vadd.f32 v1, v2;
	_ =	sdelay $0x1  }
0xa1: {  	v1 =	vmul.f32 $5.000000000e-01, v1;
	_ =	sdelay $0x1  }
0xa2: {  	(erf) = vrcp.f32 v1;
	_ =	sdelay $0x8  }
0xa3: {  	v44 =	vpop (erf)  }
0xa4: {  	v2 =	vmul.f32 v44, v0;
	_ =	sdelay $0x1  }
0xa5: {  	v1 =	vadd.f32 v2, v1;
	_ =	sdelay $0x1  }
0xa6: {  	v1 =	vmul.f32 $5.000000000e-01, v1;
	_ =	sdelay $0x1  }
0xa7: {  	(erf) = vrcp.f32 v1;
	_ =	sdelay $0x7  }
0xa8: {  	v46 =	vimm.s32 $0xFEDCBA98  }
0xa9: {  	v47 =	vimm.s32 $0x76543210;
	v49 =	vimm.s32 $0x3210FEDC;
	v3 =	vunpack.c.l.s4.s8 v46;
	v45 =	vpop (erf)  }
0xaa: {  	v51 =	vimm.s32 $0xBA987654;
	v2 =	vunpack.c.l.s4.s8 v47;
	v0 =	vmul.f32 v45, v0  }
0xab: {  	v50 =	vunpack.c.l.s4.s8 v49;
	v48 =	vunpack.c.0.s8.s32 v3;
	v3 =	vunpack.c.l.s4.s8 v51  }
0xac: {  	v54 =	vimm.s32 $0x98765432;
	v2 =	vunpack.c.0.s8.s32 v2;
	v0 =	vadd.f32 v0, v1  }
0xad: {  	v53 =	vimm.s32 $0x10FEDCBA;
	v3 =	vunpack.c.0.s8.s32 v3;
	v1 =	vand.u32 $0xF, v48  }
0xae: {  	v1 =	vcombine.low v1, v2;
	v2 =	vunpack.c.0.s8.s32 v50;
	v0 =	vmul.f32 $5.000000000e-01, v0  }
0xaf: {  	v57 =	vimm.s32 $0xFEDCBA9;
	v6 =	vunpack.c.l.s4.s8 v54;
	v5 =	vunpack.c.l.s4.s8 v53  }
0xb0: {  	v58 =	vimm.s32 $0x87654321;
	v2 =	vcombine.low v3, v2;
	v52 =	vperm.xlane v0, v1  }
0xb1: {  	v56 =	vunpack.c.0.s8.s32 v6;
	v6 =	vunpack.c.l.s4.s8 v57;
	v55 =	vunpack.c.0.s8.s32 v5  }
0xb2: {  	v7 =	vunpack.c.l.s4.s8 v58;
	v2 =	vand.u32 $0xF, v2;
	v4 =	vmax.f32 v0, v52  }
0xb3: {  	v3 =	vcombine.low v56, v55;
	v59 =	vperm.xlane v4, v2  }
0xb4: {  	v60 =	vunpack.c.0.s8.s32 v6;
	v61 =	vunpack.c.0.s8.s32 v7  }
0xb5: {  	v3 =	vand.u32 $0xF, v3;
	v4 =	vmax.f32 v4, v59  }
0xb6: {  	v5 =	vcombine.low v61, v60;
	v62 =	vperm.xlane v4, v3;
	_ =	sdelay $0x1  }
0xb7: {  	v5 =	vand.u32 $0xF, v5;
	v4 =	vmax.f32 v4, v62  }
0xb8: {  	v63 =	vperm.xlane v4, v5;
	_ =	sdelay $0x1  }
0xb9: {  	v4 =	vmax.f32 v4, v63  }
0xba: {  	v0 =	vsub.f32 v0, v4;
	_ =	sdelay $0x1  }
0xbb: {  	v0 =	vmul.f32 $1.442695020e+00, v0;
	_ =	sdelay $0x1  }
0xbc: {  	(erf) = vpow2.f32 v0;
	_ =	sdelay $0x8  }
0xbd: {  	v0 =	vpop (erf)  }
0xbe: {  	v1 =	vperm.xlane v0, v1;
	_ =	sdelay $0x1  }
0xbf: {  	v1 =	vadd.f32 v0, v1;
	_ =	sdelay $0x1  }
0xc0: {  	v2 =	vperm.xlane v1, v2;
	_ =	sdelay $0x1  }
0xc1: {  	v1 =	vadd.f32 v1, v2;
	_ =	sdelay $0x1  }
0xc2: {  	v2 =	vperm.xlane v1, v3;
	_ =	sdelay $0x1  }
0xc3: {  	v1 =	vadd.f32 v1, v2;
	_ =	sdelay $0x1  }
0xc4: {  	v2 =	vperm.xlane v1, v5;
	_ =	sdelay $0x1  }
0xc5: {  	v1 =	vadd.f32 v1, v2;
	_ =	sdelay $0x1  }
0xc6: {  	(erf) = vrcp.f32 v1;
	_ =	sdelay $0x8  }
0xc7: {  	v1 =	vpop (erf)  }
0xc8: {  	v0 =	vmul.f32 v1, v0;
	_ =	sdelay $0x1  }
0xc9: {  	s4 =	simm.s32 $0x200;
	[tilespmem:$0x200] =	vst v0  }
0xca: {  	[hbm4b:s1+s3] =	stream.linear.scatter [tilespmem:s4], [sflag:$0x1], $0x80, $0x38;
	[tilespmem:$0x280] =	vst v63  }
0xcb: {  	_ =	swait.ge [sflag:s31], $0x80  }
0xcc: {  	[sflag:s31] =	ssyncset.done $0x0  }
0xcd: {  	[sflag:s31] =	ssyncadd.s32 $0xFFFFFF80  }
0xce: {  	_ =	sfence.sel $0x180000  }
0xcf: {  	[bflag:$0x0] =	sbarrier.arrive $0xFFFF  }
0xd0: {  	_ =	strace $0x90000047  }
0xd1: {  	s0 =	sadd.s32 $0x100000, s0;
	[bflag:$0x2] =	sbarrier.arrive $0xFFFF  }
0xd2: {  	[sflag:s0] =	ssyncadd.tile.s32 $0x1;
	_ =	shalt  }
.Lfunc_end2:
_tile_overlayer_lowered:
.L_overlay_start_2:
0xd3: {  	(tag) =	ssettag $0x2  }
0xd4: {  	s0 =	rddreg [dreg:$0x0];
	s2 =	stileid.u32  }
0xd5: {  	s1 =	rddreg [dreg:$0x1];
	p0 =	sne.s32 s2, $0x0  }
0xd6: {  	s3 =	rddreg [dreg:$0x2];
	[bflag:$0x3] =	sbarrier.arrive $0xFFFF;
	s2 =	simm.s32 @!p0 $0x1C01  }
0xd7: {  	[timem:s3], [sflag:s2] =	dma.local @!p0 [hbm:s0], s1  }
0xd8: {  	s0 =	simm.s32 @!p0 $0x1  }
0xd9: {  	_ =	swait.ge @!p0 [sflag:s0], s1  }
0xda: {  	s1 =	ssub.s32 @!p0 $0x0, s1;
	[sflag:s0] =	ssyncset.done @!p0 $0x0  }
0xdb: {  	[sflag:s0] =	ssyncadd.s32 @!p0 s1  }
0xdc: {  	[bflag:$0x3] =	sbarrier.arrive $0xFFFF  }
0xdd: {  	_ =	shalt  }

</sc_bundles>
